<compile_context>
chip_gen: v7x
topology: tpu7x:2x2x1
jax: 0.10.2.dev20260603
libtpu: 0.0.44.dev20260713+nightly
codegen_flags: <defaults>
</compile_context>

<pallas_src>
import jax
import jax.numpy as jnp
from jax import lax
from jax.experimental import pallas as pl
from jax.experimental.pallas import tpu as pltpu
from jax.experimental.pallas import tpu_sc as plsc

_D = 128
_SHARED = 32
_B = 16384
_NC = 2
_NS = 16
_NW = _NC * _NS
_BPW = _B // _NW
_CHUNK = 64
_NCHUNK = _BPW // _CHUNK


def _sc_body(x_hbm, tab_hbm, sh_hbm, out_hbm, idx_v, rows_v, sh_v, shblk_v, gsems, osem):
    wid = lax.axis_index("s") * _NC + lax.axis_index("c")
    base = wid * _BPW

    a_idx = pltpu.async_copy(x_hbm.at[wid], idx_v, osem)
    a_sh = pltpu.async_copy(sh_hbm, sh_v, osem)
    a_idx.wait()

    gathers = [
        pltpu.async_copy(
            tab_hbm.at[idx_v.at[k]],
            rows_v.at[pl.ds(k * _CHUNK, _CHUNK)],
            gsems.at[k],
        )
        for k in range(_NCHUNK)
    ]
    a_sh.wait()

    s0 = sh_v[pl.ds(0, 16)]
    s1 = sh_v[pl.ds(16, 16)]

    def blk_fill(i, carry):
        shblk_v[i, pl.ds(0, 16)] = s0
        shblk_v[i, pl.ds(16, 16)] = s1
        return carry

    lax.fori_loop(0, _BPW, blk_fill, 0)

    outs = [
        pltpu.async_copy(
            shblk_v,
            out_hbm.at[pl.ds(base, _BPW), pl.ds(0, _SHARED)],
            osem,
        )
    ]
    for k in range(_NCHUNK):
        gathers[k].wait()
        outs.append(
            pltpu.async_copy(
                rows_v.at[pl.ds(k * _CHUNK, _CHUNK), pl.ds(_SHARED, _D - _SHARED)],
                out_hbm.at[pl.ds(base + k * _CHUNK, _CHUNK), pl.ds(_SHARED, _D - _SHARED)],
                osem,
            )
        )
    for o in outs:
        o.wait()


_mesh = plsc.VectorSubcoreMesh(core_axis_name="c", subcore_axis_name="s")

_emb_lookup = pl.kernel(
    _sc_body,
    mesh=_mesh,
    compiler_params=pltpu.CompilerParams(use_tc_tiling_on_sc=False),
    out_type=jax.ShapeDtypeStruct((_B, _D), jnp.float32),
    scratch_types=[
        pltpu.VMEM((_NCHUNK, _CHUNK), jnp.int32),
        pltpu.VMEM((_BPW, _D), jnp.float32),
        pltpu.VMEM((_SHARED,), jnp.float32),
        pltpu.VMEM((_BPW, _SHARED), jnp.float32),
        pltpu.SemaphoreType.DMA((_NCHUNK,)),
        pltpu.SemaphoreType.DMA,
    ],
)


def kernel(X, table, shared_embed):
    x = X.astype(jnp.int32).reshape(_NW, _NCHUNK, _CHUNK)
    sh = shared_embed.reshape(_SHARED)
    return _emb_lookup(x, table, sh)

# --- scband reference (transcript-rebuilt; emitter-appended) ---
"""Pipeline reference for scband-shared-embeddings-17489106829589 (READ-ONLY COPY).

The authoritative reference and input builder live on the scoring server;
editing this copy changes nothing except your own understanding.
"""

import jax, jax.numpy as jnp
import numpy as np

N_EMBED = 100000
EMBED_DIM = 128
FRAC_SHARED = 0.25
COL_DIM = int(EMBED_DIM * FRAC_SHARED)  # 32
BATCH = 16384


def setup_inputs(seed: int = 0) -> dict:
    key = jax.random.key(seed)
    k_idx, k_tab, k_shared = jax.random.split(key, 3)
    X = jax.random.randint(k_idx, (BATCH,), 0, N_EMBED, dtype=jnp.int64)
    # nn.Embedding default init N(0,1), then clamp_(-2, 2); padding_idx=0 row zeroed
    table = jax.random.normal(k_tab, (N_EMBED, EMBED_DIM), dtype=jnp.float32)
    table = jnp.clip(table, -2.0, 2.0)
    table = table.at[0].set(0.0)
    shared_embed = jax.random.uniform(k_shared, (1, COL_DIM), dtype=jnp.float32, minval=-1.0, maxval=1.0)
    return {"X": X, "table": table, "shared_embed": shared_embed}


def reference(X, table, shared_embed):
    # embed lookup (dropout p=0.0 -> identity in eval / deterministic setting)
    out = jnp.take(table, X, axis=0)  # [B, embed_dim]
    # add_shared_embed=False -> overwrite first COL_DIM columns with shared embedding
    shared = jnp.broadcast_to(shared_embed, (out.shape[0], shared_embed.shape[1]))
    out = out.at[:, : shared_embed.shape[1]].set(shared)
    return out

if __name__ == "__main__":
    import jax
    _d = setup_inputs()
    print(jax.jit(kernel)(*tuple(_d.values())))

</pallas_src>

<mosaic_0001>
#map = affine_map<(d0, d1) -> (0, 0, 0)>
#map1 = affine_map<(d0, d1) -> (0, 0)>
#map2 = affine_map<(d0, d1) -> (0)>
module attributes {stable_mosaic.version = 14 : i64} {
  func.func @_sc_body(%arg0: i32, %arg1: i32, %arg2: memref<32x8x64xi32, #tpu.memory_space<hbm>>, %arg3: memref<100000x128xf32, #tpu.memory_space<hbm>>, %arg4: memref<32xf32, #tpu.memory_space<hbm>>, %arg5: memref<16384x128xf32, #tpu.memory_space<hbm>>, %arg6: memref<8x64xi32, #tpu.memory_space<vmem>>, %arg7: memref<512x128xf32, #tpu.memory_space<vmem>>, %arg8: memref<32xf32, #tpu.memory_space<vmem>>, %arg9: memref<512x32xf32, #tpu.memory_space<vmem>>, %arg10: memref<8x!tpu.dma_semaphore, #tpu.memory_space<semaphore_mem>>, %arg11: memref<!tpu.dma_semaphore, #tpu.memory_space<semaphore_mem>>) attributes {dimension_semantics = [#tpu.dimension_semantics<core_parallel>, #tpu.dimension_semantics<subcore_parallel>], iteration_bounds = array<i64: 2, 16>, scalar_prefetch = 0 : i64, scratch_operands = 6 : i64, tpu.core_type = #tpu.core_type<sc_vector_subcore>, window_params = [{transform_indices = #map}, {transform_indices = #map1}, {transform_indices = #map2}, {transform_indices = #map1}]} {
    %mul3A = arith.constant 2 : i32
    %mul3A_0 = arith.muli %arg1, %mul3A : i32
    %add3A = arith.addi %mul3A_0, %arg0 : i32
    %mul3A_1 = arith.constant 512 : i32
    %mul3A_2 = arith.muli %add3A, %mul3A_1 : i32
    %dma_start3A = arith.constant 0 : i32
    %dma_start3A_3 = arith.constant 0 : i32
    %dma_start3A_4 = tpu.memref_slice %arg2[%add3A, %dma_start3A, %dma_start3A_3] : memref<32x8x64xi32, #tpu.memory_space<hbm>> -> memref<1x8x64xi32, #tpu.memory_space<hbm>>
    %dma_start3A_5 = tpu.memref_squeeze %dma_start3A_4 : memref<1x8x64xi32, #tpu.memory_space<hbm>> -> memref<8x64xi32, #tpu.memory_space<hbm>>
    %dma_start3A_6 = arith.constant 0 : i32
    %dma_start3A_7 = arith.constant 0 : i32
    %dma_start3A_8 = tpu.memref_slice %arg2[%add3A, %dma_start3A_6, %dma_start3A_7] : memref<32x8x64xi32, #tpu.memory_space<hbm>> -> memref<1x8x64xi32, #tpu.memory_space<hbm>>
    %dma_start3A_9 = tpu.memref_squeeze %dma_start3A_8 : memref<1x8x64xi32, #tpu.memory_space<hbm>> -> memref<8x64xi32, #tpu.memory_space<hbm>>
    tpu.enqueue_dma source(%dma_start3A_9 : memref<8x64xi32, #tpu.memory_space<hbm>>) target(%arg6 : memref<8x64xi32, #tpu.memory_space<vmem>>) target_semaphore(%arg11 : memref<!tpu.dma_semaphore, #tpu.memory_space<semaphore_mem>>)
    tpu.enqueue_dma source(%arg4 : memref<32xf32, #tpu.memory_space<hbm>>) target(%arg8 : memref<32xf32, #tpu.memory_space<vmem>>) target_semaphore(%arg11 : memref<!tpu.dma_semaphore, #tpu.memory_space<semaphore_mem>>)
    %dma_wait3A = arith.constant 0 : i32
    %dma_wait3A_10 = arith.constant 0 : i32
    %dma_wait3A_11 = tpu.memref_slice %arg2[%add3A, %dma_wait3A, %dma_wait3A_10] : memref<32x8x64xi32, #tpu.memory_space<hbm>> -> memref<1x8x64xi32, #tpu.memory_space<hbm>>
    %dma_wait3A_12 = tpu.memref_squeeze %dma_wait3A_11 : memref<1x8x64xi32, #tpu.memory_space<hbm>> -> memref<8x64xi32, #tpu.memory_space<hbm>>
    %dma_wait3A_13 = arith.constant 0 : i32
    %dma_wait3A_14 = arith.constant 0 : i32
    %dma_wait3A_15 = tpu.memref_slice %arg2[%add3A, %dma_wait3A_13, %dma_wait3A_14] : memref<32x8x64xi32, #tpu.memory_space<hbm>> -> memref<1x8x64xi32, #tpu.memory_space<hbm>>
    %dma_wait3A_16 = tpu.memref_squeeze %dma_wait3A_15 : memref<1x8x64xi32, #tpu.memory_space<hbm>> -> memref<8x64xi32, #tpu.memory_space<hbm>>
    tpu.wait_dma2 semaphore(%arg11 : memref<!tpu.dma_semaphore, #tpu.memory_space<semaphore_mem>>) src(%dma_wait3A_16 : memref<8x64xi32, #tpu.memory_space<hbm>>) dst(%arg6 : memref<8x64xi32, #tpu.memory_space<vmem>>)
    %dma_start3A_17 = arith.constant 0 : i32
    %dma_start3A_18 = arith.constant 0 : i32
    %dma_start3A_19 = arith.constant 0 : i32
    %dma_start3A_20 = arith.constant 0 : i32
    %dma_start3A_21 = tpu.memref_slice %arg7[%dma_start3A_19, %dma_start3A_20] : memref<512x128xf32, #tpu.memory_space<vmem>> -> memref<64x128xf32, #tpu.memory_space<vmem>>
    %dma_start3A_22 = arith.constant 0 : i32
    %dma_start3A_23 = tpu.memref_slice %arg6[%dma_start3A_17, %dma_start3A_22] : memref<8x64xi32, #tpu.memory_space<vmem>> -> memref<1x64xi32, #tpu.memory_space<vmem>>
    %dma_start3A_24 = tpu.memref_squeeze %dma_start3A_23 : memref<1x64xi32, #tpu.memory_space<vmem>> -> memref<64xi32, #tpu.memory_space<vmem>>
    %dma_start3A_25 = arith.constant 0 : i32
    %dma_start3A_26 = arith.constant 0 : i32
    %dma_start3A_27 = tpu.memref_slice %arg3[%dma_start3A_25, %dma_start3A_26] : memref<100000x128xf32, #tpu.memory_space<hbm>> -> memref<100000x128xf32, #tpu.memory_space<hbm>>
    %dma_start3A_28 = tpu.memref_slice %arg10[%dma_start3A_18] : memref<8x!tpu.dma_semaphore, #tpu.memory_space<semaphore_mem>> -> memref<1x!tpu.dma_semaphore, #tpu.memory_space<semaphore_mem>>
    %dma_start3A_29 = tpu.memref_squeeze %dma_start3A_28 : memref<1x!tpu.dma_semaphore, #tpu.memory_space<semaphore_mem>> -> memref<!tpu.dma_semaphore, #tpu.memory_space<semaphore_mem>>
    tpu.enqueue_indirect_dma source(%dma_start3A_27 : memref<100000x128xf32, #tpu.memory_space<hbm>>) target(%dma_start3A_21 : memref<64x128xf32, #tpu.memory_space<vmem>>) offsets(%dma_start3A_24 : memref<64xi32, #tpu.memory_space<vmem>>) semaphore(%dma_start3A_29 : memref<!tpu.dma_semaphore, #tpu.memory_space<semaphore_mem>>)
    %dma_start3A_30 = arith.constant 1 : i32
    %dma_start3A_31 = arith.constant 1 : i32
    %dma_start3A_32 = arith.constant 64 : i32
    %dma_start3A_33 = arith.constant 0 : i32
    %dma_start3A_34 = tpu.memref_slice %arg7[%dma_start3A_32, %dma_start3A_33] : memref<512x128xf32, #tpu.memory_space<vmem>> -> memref<64x128xf32, #tpu.memory_space<vmem>>
    %dma_start3A_35 = arith.constant 0 : i32
    %dma_start3A_36 = tpu.memref_slice %arg6[%dma_start3A_30, %dma_start3A_35] : memref<8x64xi32, #tpu.memory_space<vmem>> -> memref<1x64xi32, #tpu.memory_space<vmem>>
    %dma_start3A_37 = tpu.memref_squeeze %dma_start3A_36 : memref<1x64xi32, #tpu.memory_space<vmem>> -> memref<64xi32, #tpu.memory_space<vmem>>
    %dma_start3A_38 = arith.constant 0 : i32
    %dma_start3A_39 = arith.constant 0 : i32
    %dma_start3A_40 = tpu.memref_slice %arg3[%dma_start3A_38, %dma_start3A_39] : memref<100000x128xf32, #tpu.memory_space<hbm>> -> memref<100000x128xf32, #tpu.memory_space<hbm>>
    %dma_start3A_41 = tpu.memref_slice %arg10[%dma_start3A_31] : memref<8x!tpu.dma_semaphore, #tpu.memory_space<semaphore_mem>> -> memref<1x!tpu.dma_semaphore, #tpu.memory_space<semaphore_mem>>
    %dma_start3A_42 = tpu.memref_squeeze %dma_start3A_41 : memref<1x!tpu.dma_semaphore, #tpu.memory_space<semaphore_mem>> -> memref<!tpu.dma_semaphore, #tpu.memory_space<semaphore_mem>>
    tpu.enqueue_indirect_dma source(%dma_start3A_40 : memref<100000x128xf32, #tpu.memory_space<hbm>>) target(%dma_start3A_34 : memref<64x128xf32, #tpu.memory_space<vmem>>) offsets(%dma_start3A_37 : memref<64xi32, #tpu.memory_space<vmem>>) semaphore(%dma_start3A_42 : memref<!tpu.dma_semaphore, #tpu.memory_space<semaphore_mem>>)
    %dma_start3A_43 = arith.constant 2 : i32
    %dma_start3A_44 = arith.constant 2 : i32
    %dma_start3A_45 = arith.constant 128 : i32
    %dma_start3A_46 = arith.constant 0 : i32
    %dma_start3A_47 = tpu.memref_slice %arg7[%dma_start3A_45, %dma_start3A_46] : memref<512x128xf32, #tpu.memory_space<vmem>> -> memref<64x128xf32, #tpu.memory_space<vmem>>
    %dma_start3A_48 = arith.constant 0 : i32
    %dma_start3A_49 = tpu.memref_slice %arg6[%dma_start3A_43, %dma_start3A_48] : memref<8x64xi32, #tpu.memory_space<vmem>> -> memref<1x64xi32, #tpu.memory_space<vmem>>
    %dma_start3A_50 = tpu.memref_squeeze %dma_start3A_49 : memref<1x64xi32, #tpu.memory_space<vmem>> -> memref<64xi32, #tpu.memory_space<vmem>>
    %dma_start3A_51 = arith.constant 0 : i32
    %dma_start3A_52 = arith.constant 0 : i32
    %dma_start3A_53 = tpu.memref_slice %arg3[%dma_start3A_51, %dma_start3A_52] : memref<100000x128xf32, #tpu.memory_space<hbm>> -> memref<100000x128xf32, #tpu.memory_space<hbm>>
    %dma_start3A_54 = tpu.memref_slice %arg10[%dma_start3A_44] : memref<8x!tpu.dma_semaphore, #tpu.memory_space<semaphore_mem>> -> memref<1x!tpu.dma_semaphore, #tpu.memory_space<semaphore_mem>>
    %dma_start3A_55 = tpu.memref_squeeze %dma_start3A_54 : memref<1x!tpu.dma_semaphore, #tpu.memory_space<semaphore_mem>> -> memref<!tpu.dma_semaphore, #tpu.memory_space<semaphore_mem>>
    tpu.enqueue_indirect_dma source(%dma_start3A_53 : memref<100000x128xf32, #tpu.memory_space<hbm>>) target(%dma_start3A_47 : memref<64x128xf32, #tpu.memory_space<vmem>>) offsets(%dma_start3A_50 : memref<64xi32, #tpu.memory_space<vmem>>) semaphore(%dma_start3A_55 : memref<!tpu.dma_semaphore, #tpu.memory_space<semaphore_mem>>)
    %dma_start3A_56 = arith.constant 3 : i32
    %dma_start3A_57 = arith.constant 3 : i32
    %dma_start3A_58 = arith.constant 192 : i32
    %dma_start3A_59 = arith.constant 0 : i32
    %dma_start3A_60 = tpu.memref_slice %arg7[%dma_start3A_58, %dma_start3A_59] : memref<512x128xf32, #tpu.memory_space<vmem>> -> memref<64x128xf32, #tpu.memory_space<vmem>>
    %dma_start3A_61 = arith.constant 0 : i32
    %dma_start3A_62 = tpu.memref_slice %arg6[%dma_start3A_56, %dma_start3A_61] : memref<8x64xi32, #tpu.memory_space<vmem>> -> memref<1x64xi32, #tpu.memory_space<vmem>>
    %dma_start3A_63 = tpu.memref_squeeze %dma_start3A_62 : memref<1x64xi32, #tpu.memory_space<vmem>> -> memref<64xi32, #tpu.memory_space<vmem>>
    %dma_start3A_64 = arith.constant 0 : i32
    %dma_start3A_65 = arith.constant 0 : i32
    %dma_start3A_66 = tpu.memref_slice %arg3[%dma_start3A_64, %dma_start3A_65] : memref<100000x128xf32, #tpu.memory_space<hbm>> -> memref<100000x128xf32, #tpu.memory_space<hbm>>
    %dma_start3A_67 = tpu.memref_slice %arg10[%dma_start3A_57] : memref<8x!tpu.dma_semaphore, #tpu.memory_space<semaphore_mem>> -> memref<1x!tpu.dma_semaphore, #tpu.memory_space<semaphore_mem>>
    %dma_start3A_68 = tpu.memref_squeeze %dma_start3A_67 : memref<1x!tpu.dma_semaphore, #tpu.memory_space<semaphore_mem>> -> memref<!tpu.dma_semaphore, #tpu.memory_space<semaphore_mem>>
    tpu.enqueue_indirect_dma source(%dma_start3A_66 : memref<100000x128xf32, #tpu.memory_space<hbm>>) target(%dma_start3A_60 : memref<64x128xf32, #tpu.memory_space<vmem>>) offsets(%dma_start3A_63 : memref<64xi32, #tpu.memory_space<vmem>>) semaphore(%dma_start3A_68 : memref<!tpu.dma_semaphore, #tpu.memory_space<semaphore_mem>>)
    %dma_start3A_69 = arith.constant 4 : i32
    %dma_start3A_70 = arith.constant 4 : i32
    %dma_start3A_71 = arith.constant 256 : i32
    %dma_start3A_72 = arith.constant 0 : i32
    %dma_start3A_73 = tpu.memref_slice %arg7[%dma_start3A_71, %dma_start3A_72] : memref<512x128xf32, #tpu.memory_space<vmem>> -> memref<64x128xf32, #tpu.memory_space<vmem>>
    %dma_start3A_74 = arith.constant 0 : i32
    %dma_start3A_75 = tpu.memref_slice %arg6[%dma_start3A_69, %dma_start3A_74] : memref<8x64xi32, #tpu.memory_space<vmem>> -> memref<1x64xi32, #tpu.memory_space<vmem>>
    %dma_start3A_76 = tpu.memref_squeeze %dma_start3A_75 : memref<1x64xi32, #tpu.memory_space<vmem>> -> memref<64xi32, #tpu.memory_space<vmem>>
    %dma_start3A_77 = arith.constant 0 : i32
    %dma_start3A_78 = arith.constant 0 : i32
    %dma_start3A_79 = tpu.memref_slice %arg3[%dma_start3A_77, %dma_start3A_78] : memref<100000x128xf32, #tpu.memory_space<hbm>> -> memref<100000x128xf32, #tpu.memory_space<hbm>>
    %dma_start3A_80 = tpu.memref_slice %arg10[%dma_start3A_70] : memref<8x!tpu.dma_semaphore, #tpu.memory_space<semaphore_mem>> -> memref<1x!tpu.dma_semaphore, #tpu.memory_space<semaphore_mem>>
    %dma_start3A_81 = tpu.memref_squeeze %dma_start3A_80 : memref<1x!tpu.dma_semaphore, #tpu.memory_space<semaphore_mem>> -> memref<!tpu.dma_semaphore, #tpu.memory_space<semaphore_mem>>
    tpu.enqueue_indirect_dma source(%dma_start3A_79 : memref<100000x128xf32, #tpu.memory_space<hbm>>) target(%dma_start3A_73 : memref<64x128xf32, #tpu.memory_space<vmem>>) offsets(%dma_start3A_76 : memref<64xi32, #tpu.memory_space<vmem>>) semaphore(%dma_start3A_81 : memref<!tpu.dma_semaphore, #tpu.memory_space<semaphore_mem>>)
    %dma_start3A_82 = arith.constant 5 : i32
    %dma_start3A_83 = arith.constant 5 : i32
    %dma_start3A_84 = arith.constant 320 : i32
    %dma_start3A_85 = arith.constant 0 : i32
    %dma_start3A_86 = tpu.memref_slice %arg7[%dma_start3A_84, %dma_start3A_85] : memref<512x128xf32, #tpu.memory_space<vmem>> -> memref<64x128xf32, #tpu.memory_space<vmem>>
    %dma_start3A_87 = arith.constant 0 : i32
    %dma_start3A_88 = tpu.memref_slice %arg6[%dma_start3A_82, %dma_start3A_87] : memref<8x64xi32, #tpu.memory_space<vmem>> -> memref<1x64xi32, #tpu.memory_space<vmem>>
    %dma_start3A_89 = tpu.memref_squeeze %dma_start3A_88 : memref<1x64xi32, #tpu.memory_space<vmem>> -> memref<64xi32, #tpu.memory_space<vmem>>
    %dma_start3A_90 = arith.constant 0 : i32
    %dma_start3A_91 = arith.constant 0 : i32
    %dma_start3A_92 = tpu.memref_slice %arg3[%dma_start3A_90, %dma_start3A_91] : memref<100000x128xf32, #tpu.memory_space<hbm>> -> memref<100000x128xf32, #tpu.memory_space<hbm>>
    %dma_start3A_93 = tpu.memref_slice %arg10[%dma_start3A_83] : memref<8x!tpu.dma_semaphore, #tpu.memory_space<semaphore_mem>> -> memref<1x!tpu.dma_semaphore, #tpu.memory_space<semaphore_mem>>
    %dma_start3A_94 = tpu.memref_squeeze %dma_start3A_93 : memref<1x!tpu.dma_semaphore, #tpu.memory_space<semaphore_mem>> -> memref<!tpu.dma_semaphore, #tpu.memory_space<semaphore_mem>>
    tpu.enqueue_indirect_dma source(%dma_start3A_92 : memref<100000x128xf32, #tpu.memory_space<hbm>>) target(%dma_start3A_86 : memref<64x128xf32, #tpu.memory_space<vmem>>) offsets(%dma_start3A_89 : memref<64xi32, #tpu.memory_space<vmem>>) semaphore(%dma_start3A_94 : memref<!tpu.dma_semaphore, #tpu.memory_space<semaphore_mem>>)
    %dma_start3A_95 = arith.constant 6 : i32
    %dma_start3A_96 = arith.constant 6 : i32
    %dma_start3A_97 = arith.constant 384 : i32
    %dma_start3A_98 = arith.constant 0 : i32
    %dma_start3A_99 = tpu.memref_slice %arg7[%dma_start3A_97, %dma_start3A_98] : memref<512x128xf32, #tpu.memory_space<vmem>> -> memref<64x128xf32, #tpu.memory_space<vmem>>
    %dma_start3A_100 = arith.constant 0 : i32
    %dma_start3A_101 = tpu.memref_slice %arg6[%dma_start3A_95, %dma_start3A_100] : memref<8x64xi32, #tpu.memory_space<vmem>> -> memref<1x64xi32, #tpu.memory_space<vmem>>
    %dma_start3A_102 = tpu.memref_squeeze %dma_start3A_101 : memref<1x64xi32, #tpu.memory_space<vmem>> -> memref<64xi32, #tpu.memory_space<vmem>>
    %dma_start3A_103 = arith.constant 0 : i32
    %dma_start3A_104 = arith.constant 0 : i32
    %dma_start3A_105 = tpu.memref_slice %arg3[%dma_start3A_103, %dma_start3A_104] : memref<100000x128xf32, #tpu.memory_space<hbm>> -> memref<100000x128xf32, #tpu.memory_space<hbm>>
    %dma_start3A_106 = tpu.memref_slice %arg10[%dma_start3A_96] : memref<8x!tpu.dma_semaphore, #tpu.memory_space<semaphore_mem>> -> memref<1x!tpu.dma_semaphore, #tpu.memory_space<semaphore_mem>>
    %dma_start3A_107 = tpu.memref_squeeze %dma_start3A_106 : memref<1x!tpu.dma_semaphore, #tpu.memory_space<semaphore_mem>> -> memref<!tpu.dma_semaphore, #tpu.memory_space<semaphore_mem>>
    tpu.enqueue_indirect_dma source(%dma_start3A_105 : memref<100000x128xf32, #tpu.memory_space<hbm>>) target(%dma_start3A_99 : memref<64x128xf32, #tpu.memory_space<vmem>>) offsets(%dma_start3A_102 : memref<64xi32, #tpu.memory_space<vmem>>) semaphore(%dma_start3A_107 : memref<!tpu.dma_semaphore, #tpu.memory_space<semaphore_mem>>)
    %dma_start3A_108 = arith.constant 7 : i32
    %dma_start3A_109 = arith.constant 7 : i32
    %dma_start3A_110 = arith.constant 448 : i32
    %dma_start3A_111 = arith.constant 0 : i32
    %dma_start3A_112 = tpu.memref_slice %arg7[%dma_start3A_110, %dma_start3A_111] : memref<512x128xf32, #tpu.memory_space<vmem>> -> memref<64x128xf32, #tpu.memory_space<vmem>>
    %dma_start3A_113 = arith.constant 0 : i32
    %dma_start3A_114 = tpu.memref_slice %arg6[%dma_start3A_108, %dma_start3A_113] : memref<8x64xi32, #tpu.memory_space<vmem>> -> memref<1x64xi32, #tpu.memory_space<vmem>>
    %dma_start3A_115 = tpu.memref_squeeze %dma_start3A_114 : memref<1x64xi32, #tpu.memory_space<vmem>> -> memref<64xi32, #tpu.memory_space<vmem>>
    %dma_start3A_116 = arith.constant 0 : i32
    %dma_start3A_117 = arith.constant 0 : i32
    %dma_start3A_118 = tpu.memref_slice %arg3[%dma_start3A_116, %dma_start3A_117] : memref<100000x128xf32, #tpu.memory_space<hbm>> -> memref<100000x128xf32, #tpu.memory_space<hbm>>
    %dma_start3A_119 = tpu.memref_slice %arg10[%dma_start3A_109] : memref<8x!tpu.dma_semaphore, #tpu.memory_space<semaphore_mem>> -> memref<1x!tpu.dma_semaphore, #tpu.memory_space<semaphore_mem>>
    %dma_start3A_120 = tpu.memref_squeeze %dma_start3A_119 : memref<1x!tpu.dma_semaphore, #tpu.memory_space<semaphore_mem>> -> memref<!tpu.dma_semaphore, #tpu.memory_space<semaphore_mem>>
    tpu.enqueue_indirect_dma source(%dma_start3A_118 : memref<100000x128xf32, #tpu.memory_space<hbm>>) target(%dma_start3A_112 : memref<64x128xf32, #tpu.memory_space<vmem>>) offsets(%dma_start3A_115 : memref<64xi32, #tpu.memory_space<vmem>>) semaphore(%dma_start3A_120 : memref<!tpu.dma_semaphore, #tpu.memory_space<semaphore_mem>>)
    tpu.wait_dma2 semaphore(%arg11 : memref<!tpu.dma_semaphore, #tpu.memory_space<semaphore_mem>>) src(%arg4 : memref<32xf32, #tpu.memory_space<hbm>>) dst(%arg8 : memref<32xf32, #tpu.memory_space<vmem>>)
    %get3A = arith.constant 0 : index
    %get3A_121 = tpu.vector_load %arg8[%get3A] {strides = array<i32>} : memref<32xf32, #tpu.memory_space<vmem>>, vector<16xf32>,
    %get3A_122 = vector.shape_cast %get3A_121 : vector<16xf32> to vector<16xf32>
    %get3A_123 = arith.constant 16 : index
    %get3A_124 = tpu.vector_load %arg8[%get3A_123] {strides = array<i32>} : memref<32xf32, #tpu.memory_space<vmem>>, vector<16xf32>,
    %get3A_125 = vector.shape_cast %get3A_124 : vector<16xf32> to vector<16xf32>
    %scan3A = arith.constant 0 : i32
    %scan3A_126 = arith.constant 0 : i32
    %scan3A_127 = arith.constant 512 : i32
    %scan3A_128 = arith.addi %scan3A_126, %scan3A_127 : i32
    %scan3A_129 = arith.constant 1 : i32
    scf.for %scan3A_419 = %scan3A_126 to %scan3A_128 step %scan3A_129  : i32 {
      %swap3A = arith.index_cast %scan3A_419 : i32 to index
      %swap3A_420 = arith.constant 0 : index
      %swap3A_421 = tpu.vector_load %arg9[%swap3A, %swap3A_420] {strides = array<i32>} : memref<512x32xf32, #tpu.memory_space<vmem>>, vector<1x16xf32>,
      %swap3A_422 = vector.shape_cast %swap3A_421 : vector<1x16xf32> to vector<16xf32>
      %swap3A_423 = vector.shape_cast %get3A_122 : vector<16xf32> to vector<1x16xf32>
      tpu.vector_store %arg9[%swap3A, %swap3A_420], %swap3A_423 {strides = array<i32>} : memref<512x32xf32, #tpu.memory_space<vmem>>, vector<1x16xf32>,
      %swap3A_424 = arith.index_cast %scan3A_419 : i32 to index
      %swap3A_425 = arith.constant 16 : index
      %swap3A_426 = tpu.vector_load %arg9[%swap3A_424, %swap3A_425] {strides = array<i32>} : memref<512x32xf32, #tpu.memory_space<vmem>>, vector<1x16xf32>,
      %swap3A_427 = vector.shape_cast %swap3A_426 : vector<1x16xf32> to vector<16xf32>
      %swap3A_428 = vector.shape_cast %get3A_125 : vector<16xf32> to vector<1x16xf32>
      tpu.vector_store %arg9[%swap3A_424, %swap3A_425], %swap3A_428 {strides = array<i32>} : memref<512x32xf32, #tpu.memory_space<vmem>>, vector<1x16xf32>,
    }
    %scan3A_130 = arith.constant 512 : i32
    %dma_start3A_131 = arith.constant 0 : i32
    %dma_start3A_132 = tpu.memref_slice %arg5[%mul3A_2, %dma_start3A_131] : memref<16384x128xf32, #tpu.memory_space<hbm>> -> memref<512x32xf32, #tpu.memory_space<hbm>>
    %dma_start3A_133 = arith.constant 0 : i32
    %dma_start3A_134 = tpu.memref_slice %arg5[%mul3A_2, %dma_start3A_133] : memref<16384x128xf32, #tpu.memory_space<hbm>> -> memref<512x32xf32, #tpu.memory_space<hbm>>
    tpu.enqueue_dma source(%arg9 : memref<512x32xf32, #tpu.memory_space<vmem>>) target(%dma_start3A_134 : memref<512x32xf32, #tpu.memory_space<hbm>>) target_semaphore(%arg11 : memref<!tpu.dma_semaphore, #tpu.memory_space<semaphore_mem>>)
    %dma_wait3A_135 = arith.constant 0 : i32
    %dma_wait3A_136 = arith.constant 0 : i32
    %dma_wait3A_137 = arith.constant 0 : i32
    %dma_wait3A_138 = arith.constant 0 : i32
    %dma_wait3A_139 = tpu.memref_slice %arg7[%dma_wait3A_137, %dma_wait3A_138] : memref<512x128xf32, #tpu.memory_space<vmem>> -> memref<64x128xf32, #tpu.memory_space<vmem>>
    %dma_wait3A_140 = arith.constant 0 : i32
    %dma_wait3A_141 = tpu.memref_slice %arg6[%dma_wait3A_135, %dma_wait3A_140] : memref<8x64xi32, #tpu.memory_space<vmem>> -> memref<1x64xi32, #tpu.memory_space<vmem>>
    %dma_wait3A_142 = tpu.memref_squeeze %dma_wait3A_141 : memref<1x64xi32, #tpu.memory_space<vmem>> -> memref<64xi32, #tpu.memory_space<vmem>>
    %dma_wait3A_143 = arith.constant 0 : i32
    %dma_wait3A_144 = arith.constant 0 : i32
    %dma_wait3A_145 = tpu.memref_slice %arg3[%dma_wait3A_143, %dma_wait3A_144] : memref<100000x128xf32, #tpu.memory_space<hbm>> -> memref<100000x128xf32, #tpu.memory_space<hbm>>
    %dma_wait3A_146 = tpu.memref_slice %arg10[%dma_wait3A_136] : memref<8x!tpu.dma_semaphore, #tpu.memory_space<semaphore_mem>> -> memref<1x!tpu.dma_semaphore, #tpu.memory_space<semaphore_mem>>
    %dma_wait3A_147 = tpu.memref_squeeze %dma_wait3A_146 : memref<1x!tpu.dma_semaphore, #tpu.memory_space<semaphore_mem>> -> memref<!tpu.dma_semaphore, #tpu.memory_space<semaphore_mem>>
    tpu.wait_indirect_dma semaphore(%dma_wait3A_147 : memref<!tpu.dma_semaphore, #tpu.memory_space<semaphore_mem>>) src(%dma_wait3A_145 : memref<100000x128xf32, #tpu.memory_space<hbm>>) dst(%dma_wait3A_139 : memref<64x128xf32, #tpu.memory_space<vmem>>)
    %add3A_148 = arith.constant 0 : i32
    %add3A_149 = arith.addi %mul3A_2, %add3A_148 : i32
    %dma_start3A_150 = arith.constant 0 : i32
    %dma_start3A_151 = arith.constant 32 : i32
    %dma_start3A_152 = tpu.memref_slice %arg7[%dma_start3A_150, %dma_start3A_151] : memref<512x128xf32, #tpu.memory_space<vmem>> -> memref<64x96xf32, #tpu.memory_space<vmem>>
    %dma_start3A_153 = arith.constant 32 : i32
    %dma_start3A_154 = tpu.memref_slice %arg5[%add3A_149, %dma_start3A_153] : memref<16384x128xf32, #tpu.memory_space<hbm>> -> memref<64x96xf32, #tpu.memory_space<hbm>>
    %dma_start3A_155 = arith.constant 32 : i32
    %dma_start3A_156 = tpu.memref_slice %arg5[%add3A_149, %dma_start3A_155] : memref<16384x128xf32, #tpu.memory_space<hbm>> -> memref<64x96xf32, #tpu.memory_space<hbm>>
    %dma_start3A_157 = arith.constant 0 : i32
    %dma_start3A_158 = arith.constant 32 : i32
    %dma_start3A_159 = tpu.memref_slice %arg7[%dma_start3A_157, %dma_start3A_158] : memref<512x128xf32, #tpu.memory_space<vmem>> -> memref<64x96xf32, #tpu.memory_space<vmem>>
    tpu.enqueue_dma source(%dma_start3A_159 : memref<64x96xf32, #tpu.memory_space<vmem>>) target(%dma_start3A_156 : memref<64x96xf32, #tpu.memory_space<hbm>>) target_semaphore(%arg11 : memref<!tpu.dma_semaphore, #tpu.memory_space<semaphore_mem>>)
    %dma_wait3A_160 = arith.constant 1 : i32
    %dma_wait3A_161 = arith.constant 1 : i32
    %dma_wait3A_162 = arith.constant 64 : i32
    %dma_wait3A_163 = arith.constant 0 : i32
    %dma_wait3A_164 = tpu.memref_slice %arg7[%dma_wait3A_162, %dma_wait3A_163] : memref<512x128xf32, #tpu.memory_space<vmem>> -> memref<64x128xf32, #tpu.memory_space<vmem>>
    %dma_wait3A_165 = arith.constant 0 : i32
    %dma_wait3A_166 = tpu.memref_slice %arg6[%dma_wait3A_160, %dma_wait3A_165] : memref<8x64xi32, #tpu.memory_space<vmem>> -> memref<1x64xi32, #tpu.memory_space<vmem>>
    %dma_wait3A_167 = tpu.memref_squeeze %dma_wait3A_166 : memref<1x64xi32, #tpu.memory_space<vmem>> -> memref<64xi32, #tpu.memory_space<vmem>>
    %dma_wait3A_168 = arith.constant 0 : i32
    %dma_wait3A_169 = arith.constant 0 : i32
    %dma_wait3A_170 = tpu.memref_slice %arg3[%dma_wait3A_168, %dma_wait3A_169] : memref<100000x128xf32, #tpu.memory_space<hbm>> -> memref<100000x128xf32, #tpu.memory_space<hbm>>
    %dma_wait3A_171 = tpu.memref_slice %arg10[%dma_wait3A_161] : memref<8x!tpu.dma_semaphore, #tpu.memory_space<semaphore_mem>> -> memref<1x!tpu.dma_semaphore, #tpu.memory_space<semaphore_mem>>
    %dma_wait3A_172 = tpu.memref_squeeze %dma_wait3A_171 : memref<1x!tpu.dma_semaphore, #tpu.memory_space<semaphore_mem>> -> memref<!tpu.dma_semaphore, #tpu.memory_space<semaphore_mem>>
    tpu.wait_indirect_dma semaphore(%dma_wait3A_172 : memref<!tpu.dma_semaphore, #tpu.memory_space<semaphore_mem>>) src(%dma_wait3A_170 : memref<100000x128xf32, #tpu.memory_space<hbm>>) dst(%dma_wait3A_164 : memref<64x128xf32, #tpu.memory_space<vmem>>)
    %add3A_173 = arith.constant 64 : i32
    %add3A_174 = arith.addi %mul3A_2, %add3A_173 : i32
    %dma_start3A_175 = arith.constant 64 : i32
    %dma_start3A_176 = arith.constant 32 : i32
    %dma_start3A_177 = tpu.memref_slice %arg7[%dma_start3A_175, %dma_start3A_176] : memref<512x128xf32, #tpu.memory_space<vmem>> -> memref<64x96xf32, #tpu.memory_space<vmem>>
    %dma_start3A_178 = arith.constant 32 : i32
    %dma_start3A_179 = tpu.memref_slice %arg5[%add3A_174, %dma_start3A_178] : memref<16384x128xf32, #tpu.memory_space<hbm>> -> memref<64x96xf32, #tpu.memory_space<hbm>>
    %dma_start3A_180 = arith.constant 32 : i32
    %dma_start3A_181 = tpu.memref_slice %arg5[%add3A_174, %dma_start3A_180] : memref<16384x128xf32, #tpu.memory_space<hbm>> -> memref<64x96xf32, #tpu.memory_space<hbm>>
    %dma_start3A_182 = arith.constant 64 : i32
    %dma_start3A_183 = arith.constant 32 : i32
    %dma_start3A_184 = tpu.memref_slice %arg7[%dma_start3A_182, %dma_start3A_183] : memref<512x128xf32, #tpu.memory_space<vmem>> -> memref<64x96xf32, #tpu.memory_space<vmem>>
    tpu.enqueue_dma source(%dma_start3A_184 : memref<64x96xf32, #tpu.memory_space<vmem>>) target(%dma_start3A_181 : memref<64x96xf32, #tpu.memory_space<hbm>>) target_semaphore(%arg11 : memref<!tpu.dma_semaphore, #tpu.memory_space<semaphore_mem>>)
    %dma_wait3A_185 = arith.constant 2 : i32
    %dma_wait3A_186 = arith.constant 2 : i32
    %dma_wait3A_187 = arith.constant 128 : i32
    %dma_wait3A_188 = arith.constant 0 : i32
    %dma_wait3A_189 = tpu.memref_slice %arg7[%dma_wait3A_187, %dma_wait3A_188] : memref<512x128xf32, #tpu.memory_space<vmem>> -> memref<64x128xf32, #tpu.memory_space<vmem>>
    %dma_wait3A_190 = arith.constant 0 : i32
    %dma_wait3A_191 = tpu.memref_slice %arg6[%dma_wait3A_185, %dma_wait3A_190] : memref<8x64xi32, #tpu.memory_space<vmem>> -> memref<1x64xi32, #tpu.memory_space<vmem>>
    %dma_wait3A_192 = tpu.memref_squeeze %dma_wait3A_191 : memref<1x64xi32, #tpu.memory_space<vmem>> -> memref<64xi32, #tpu.memory_space<vmem>>
    %dma_wait3A_193 = arith.constant 0 : i32
    %dma_wait3A_194 = arith.constant 0 : i32
    %dma_wait3A_195 = tpu.memref_slice %arg3[%dma_wait3A_193, %dma_wait3A_194] : memref<100000x128xf32, #tpu.memory_space<hbm>> -> memref<100000x128xf32, #tpu.memory_space<hbm>>
    %dma_wait3A_196 = tpu.memref_slice %arg10[%dma_wait3A_186] : memref<8x!tpu.dma_semaphore, #tpu.memory_space<semaphore_mem>> -> memref<1x!tpu.dma_semaphore, #tpu.memory_space<semaphore_mem>>
    %dma_wait3A_197 = tpu.memref_squeeze %dma_wait3A_196 : memref<1x!tpu.dma_semaphore, #tpu.memory_space<semaphore_mem>> -> memref<!tpu.dma_semaphore, #tpu.memory_space<semaphore_mem>>
    tpu.wait_indirect_dma semaphore(%dma_wait3A_197 : memref<!tpu.dma_semaphore, #tpu.memory_space<semaphore_mem>>) src(%dma_wait3A_195 : memref<100000x128xf32, #tpu.memory_space<hbm>>) dst(%dma_wait3A_189 : memref<64x128xf32, #tpu.memory_space<vmem>>)
    %add3A_198 = arith.constant 128 : i32
    %add3A_199 = arith.addi %mul3A_2, %add3A_198 : i32
    %dma_start3A_200 = arith.constant 128 : i32
    %dma_start3A_201 = arith.constant 32 : i32
    %dma_start3A_202 = tpu.memref_slice %arg7[%dma_start3A_200, %dma_start3A_201] : memref<512x128xf32, #tpu.memory_space<vmem>> -> memref<64x96xf32, #tpu.memory_space<vmem>>
    %dma_start3A_203 = arith.constant 32 : i32
    %dma_start3A_204 = tpu.memref_slice %arg5[%add3A_199, %dma_start3A_203] : memref<16384x128xf32, #tpu.memory_space<hbm>> -> memref<64x96xf32, #tpu.memory_space<hbm>>
    %dma_start3A_205 = arith.constant 32 : i32
    %dma_start3A_206 = tpu.memref_slice %arg5[%add3A_199, %dma_start3A_205] : memref<16384x128xf32, #tpu.memory_space<hbm>> -> memref<64x96xf32, #tpu.memory_space<hbm>>
    %dma_start3A_207 = arith.constant 128 : i32
    %dma_start3A_208 = arith.constant 32 : i32
    %dma_start3A_209 = tpu.memref_slice %arg7[%dma_start3A_207, %dma_start3A_208] : memref<512x128xf32, #tpu.memory_space<vmem>> -> memref<64x96xf32, #tpu.memory_space<vmem>>
    tpu.enqueue_dma source(%dma_start3A_209 : memref<64x96xf32, #tpu.memory_space<vmem>>) target(%dma_start3A_206 : memref<64x96xf32, #tpu.memory_space<hbm>>) target_semaphore(%arg11 : memref<!tpu.dma_semaphore, #tpu.memory_space<semaphore_mem>>)
    %dma_wait3A_210 = arith.constant 3 : i32
    %dma_wait3A_211 = arith.constant 3 : i32
    %dma_wait3A_212 = arith.constant 192 : i32
    %dma_wait3A_213 = arith.constant 0 : i32
    %dma_wait3A_214 = tpu.memref_slice %arg7[%dma_wait3A_212, %dma_wait3A_213] : memref<512x128xf32, #tpu.memory_space<vmem>> -> memref<64x128xf32, #tpu.memory_space<vmem>>
    %dma_wait3A_215 = arith.constant 0 : i32
    %dma_wait3A_216 = tpu.memref_slice %arg6[%dma_wait3A_210, %dma_wait3A_215] : memref<8x64xi32, #tpu.memory_space<vmem>> -> memref<1x64xi32, #tpu.memory_space<vmem>>
    %dma_wait3A_217 = tpu.memref_squeeze %dma_wait3A_216 : memref<1x64xi32, #tpu.memory_space<vmem>> -> memref<64xi32, #tpu.memory_space<vmem>>
    %dma_wait3A_218 = arith.constant 0 : i32
    %dma_wait3A_219 = arith.constant 0 : i32
    %dma_wait3A_220 = tpu.memref_slice %arg3[%dma_wait3A_218, %dma_wait3A_219] : memref<100000x128xf32, #tpu.memory_space<hbm>> -> memref<100000x128xf32, #tpu.memory_space<hbm>>
    %dma_wait3A_221 = tpu.memref_slice %arg10[%dma_wait3A_211] : memref<8x!tpu.dma_semaphore, #tpu.memory_space<semaphore_mem>> -> memref<1x!tpu.dma_semaphore, #tpu.memory_space<semaphore_mem>>
    %dma_wait3A_222 = tpu.memref_squeeze %dma_wait3A_221 : memref<1x!tpu.dma_semaphore, #tpu.memory_space<semaphore_mem>> -> memref<!tpu.dma_semaphore, #tpu.memory_space<semaphore_mem>>
    tpu.wait_indirect_dma semaphore(%dma_wait3A_222 : memref<!tpu.dma_semaphore, #tpu.memory_space<semaphore_mem>>) src(%dma_wait3A_220 : memref<100000x128xf32, #tpu.memory_space<hbm>>) dst(%dma_wait3A_214 : memref<64x128xf32, #tpu.memory_space<vmem>>)
    %add3A_223 = arith.constant 192 : i32
    %add3A_224 = arith.addi %mul3A_2, %add3A_223 : i32
    %dma_start3A_225 = arith.constant 192 : i32
    %dma_start3A_226 = arith.constant 32 : i32
    %dma_start3A_227 = tpu.memref_slice %arg7[%dma_start3A_225, %dma_start3A_226] : memref<512x128xf32, #tpu.memory_space<vmem>> -> memref<64x96xf32, #tpu.memory_space<vmem>>
    %dma_start3A_228 = arith.constant 32 : i32
    %dma_start3A_229 = tpu.memref_slice %arg5[%add3A_224, %dma_start3A_228] : memref<16384x128xf32, #tpu.memory_space<hbm>> -> memref<64x96xf32, #tpu.memory_space<hbm>>
    %dma_start3A_230 = arith.constant 32 : i32
    %dma_start3A_231 = tpu.memref_slice %arg5[%add3A_224, %dma_start3A_230] : memref<16384x128xf32, #tpu.memory_space<hbm>> -> memref<64x96xf32, #tpu.memory_space<hbm>>
    %dma_start3A_232 = arith.constant 192 : i32
    %dma_start3A_233 = arith.constant 32 : i32
    %dma_start3A_234 = tpu.memref_slice %arg7[%dma_start3A_232, %dma_start3A_233] : memref<512x128xf32, #tpu.memory_space<vmem>> -> memref<64x96xf32, #tpu.memory_space<vmem>>
    tpu.enqueue_dma source(%dma_start3A_234 : memref<64x96xf32, #tpu.memory_space<vmem>>) target(%dma_start3A_231 : memref<64x96xf32, #tpu.memory_space<hbm>>) target_semaphore(%arg11 : memref<!tpu.dma_semaphore, #tpu.memory_space<semaphore_mem>>)
    %dma_wait3A_235 = arith.constant 4 : i32
    %dma_wait3A_236 = arith.constant 4 : i32
    %dma_wait3A_237 = arith.constant 256 : i32
    %dma_wait3A_238 = arith.constant 0 : i32
    %dma_wait3A_239 = tpu.memref_slice %arg7[%dma_wait3A_237, %dma_wait3A_238] : memref<512x128xf32, #tpu.memory_space<vmem>> -> memref<64x128xf32, #tpu.memory_space<vmem>>
    %dma_wait3A_240 = arith.constant 0 : i32
    %dma_wait3A_241 = tpu.memref_slice %arg6[%dma_wait3A_235, %dma_wait3A_240] : memref<8x64xi32, #tpu.memory_space<vmem>> -> memref<1x64xi32, #tpu.memory_space<vmem>>
    %dma_wait3A_242 = tpu.memref_squeeze %dma_wait3A_241 : memref<1x64xi32, #tpu.memory_space<vmem>> -> memref<64xi32, #tpu.memory_space<vmem>>
    %dma_wait3A_243 = arith.constant 0 : i32
    %dma_wait3A_244 = arith.constant 0 : i32
    %dma_wait3A_245 = tpu.memref_slice %arg3[%dma_wait3A_243, %dma_wait3A_244] : memref<100000x128xf32, #tpu.memory_space<hbm>> -> memref<100000x128xf32, #tpu.memory_space<hbm>>
    %dma_wait3A_246 = tpu.memref_slice %arg10[%dma_wait3A_236] : memref<8x!tpu.dma_semaphore, #tpu.memory_space<semaphore_mem>> -> memref<1x!tpu.dma_semaphore, #tpu.memory_space<semaphore_mem>>
    %dma_wait3A_247 = tpu.memref_squeeze %dma_wait3A_246 : memref<1x!tpu.dma_semaphore, #tpu.memory_space<semaphore_mem>> -> memref<!tpu.dma_semaphore, #tpu.memory_space<semaphore_mem>>
    tpu.wait_indirect_dma semaphore(%dma_wait3A_247 : memref<!tpu.dma_semaphore, #tpu.memory_space<semaphore_mem>>) src(%dma_wait3A_245 : memref<100000x128xf32, #tpu.memory_space<hbm>>) dst(%dma_wait3A_239 : memref<64x128xf32, #tpu.memory_space<vmem>>)
    %add3A_248 = arith.constant 256 : i32
    %add3A_249 = arith.addi %mul3A_2, %add3A_248 : i32
    %dma_start3A_250 = arith.constant 256 : i32
    %dma_start3A_251 = arith.constant 32 : i32
    %dma_start3A_252 = tpu.memref_slice %arg7[%dma_start3A_250, %dma_start3A_251] : memref<512x128xf32, #tpu.memory_space<vmem>> -> memref<64x96xf32, #tpu.memory_space<vmem>>
    %dma_start3A_253 = arith.constant 32 : i32
    %dma_start3A_254 = tpu.memref_slice %arg5[%add3A_249, %dma_start3A_253] : memref<16384x128xf32, #tpu.memory_space<hbm>> -> memref<64x96xf32, #tpu.memory_space<hbm>>
    %dma_start3A_255 = arith.constant 32 : i32
    %dma_start3A_256 = tpu.memref_slice %arg5[%add3A_249, %dma_start3A_255] : memref<16384x128xf32, #tpu.memory_space<hbm>> -> memref<64x96xf32, #tpu.memory_space<hbm>>
    %dma_start3A_257 = arith.constant 256 : i32
    %dma_start3A_258 = arith.constant 32 : i32
    %dma_start3A_259 = tpu.memref_slice %arg7[%dma_start3A_257, %dma_start3A_258] : memref<512x128xf32, #tpu.memory_space<vmem>> -> memref<64x96xf32, #tpu.memory_space<vmem>>
    tpu.enqueue_dma source(%dma_start3A_259 : memref<64x96xf32, #tpu.memory_space<vmem>>) target(%dma_start3A_256 : memref<64x96xf32, #tpu.memory_space<hbm>>) target_semaphore(%arg11 : memref<!tpu.dma_semaphore, #tpu.memory_space<semaphore_mem>>)
    %dma_wait3A_260 = arith.constant 5 : i32
    %dma_wait3A_261 = arith.constant 5 : i32
    %dma_wait3A_262 = arith.constant 320 : i32
    %dma_wait3A_263 = arith.constant 0 : i32
    %dma_wait3A_264 = tpu.memref_slice %arg7[%dma_wait3A_262, %dma_wait3A_263] : memref<512x128xf32, #tpu.memory_space<vmem>> -> memref<64x128xf32, #tpu.memory_space<vmem>>
    %dma_wait3A_265 = arith.constant 0 : i32
    %dma_wait3A_266 = tpu.memref_slice %arg6[%dma_wait3A_260, %dma_wait3A_265] : memref<8x64xi32, #tpu.memory_space<vmem>> -> memref<1x64xi32, #tpu.memory_space<vmem>>
    %dma_wait3A_267 = tpu.memref_squeeze %dma_wait3A_266 : memref<1x64xi32, #tpu.memory_space<vmem>> -> memref<64xi32, #tpu.memory_space<vmem>>
    %dma_wait3A_268 = arith.constant 0 : i32
    %dma_wait3A_269 = arith.constant 0 : i32
    %dma_wait3A_270 = tpu.memref_slice %arg3[%dma_wait3A_268, %dma_wait3A_269] : memref<100000x128xf32, #tpu.memory_space<hbm>> -> memref<100000x128xf32, #tpu.memory_space<hbm>>
    %dma_wait3A_271 = tpu.memref_slice %arg10[%dma_wait3A_261] : memref<8x!tpu.dma_semaphore, #tpu.memory_space<semaphore_mem>> -> memref<1x!tpu.dma_semaphore, #tpu.memory_space<semaphore_mem>>
    %dma_wait3A_272 = tpu.memref_squeeze %dma_wait3A_271 : memref<1x!tpu.dma_semaphore, #tpu.memory_space<semaphore_mem>> -> memref<!tpu.dma_semaphore, #tpu.memory_space<semaphore_mem>>
    tpu.wait_indirect_dma semaphore(%dma_wait3A_272 : memref<!tpu.dma_semaphore, #tpu.memory_space<semaphore_mem>>) src(%dma_wait3A_270 : memref<100000x128xf32, #tpu.memory_space<hbm>>) dst(%dma_wait3A_264 : memref<64x128xf32, #tpu.memory_space<vmem>>)
    %add3A_273 = arith.constant 320 : i32
    %add3A_274 = arith.addi %mul3A_2, %add3A_273 : i32
    %dma_start3A_275 = arith.constant 320 : i32
    %dma_start3A_276 = arith.constant 32 : i32
    %dma_start3A_277 = tpu.memref_slice %arg7[%dma_start3A_275, %dma_start3A_276] : memref<512x128xf32, #tpu.memory_space<vmem>> -> memref<64x96xf32, #tpu.memory_space<vmem>>
    %dma_start3A_278 = arith.constant 32 : i32
    %dma_start3A_279 = tpu.memref_slice %arg5[%add3A_274, %dma_start3A_278] : memref<16384x128xf32, #tpu.memory_space<hbm>> -> memref<64x96xf32, #tpu.memory_space<hbm>>
    %dma_start3A_280 = arith.constant 32 : i32
    %dma_start3A_281 = tpu.memref_slice %arg5[%add3A_274, %dma_start3A_280] : memref<16384x128xf32, #tpu.memory_space<hbm>> -> memref<64x96xf32, #tpu.memory_space<hbm>>
    %dma_start3A_282 = arith.constant 320 : i32
    %dma_start3A_283 = arith.constant 32 : i32
    %dma_start3A_284 = tpu.memref_slice %arg7[%dma_start3A_282, %dma_start3A_283] : memref<512x128xf32, #tpu.memory_space<vmem>> -> memref<64x96xf32, #tpu.memory_space<vmem>>
    tpu.enqueue_dma source(%dma_start3A_284 : memref<64x96xf32, #tpu.memory_space<vmem>>) target(%dma_start3A_281 : memref<64x96xf32, #tpu.memory_space<hbm>>) target_semaphore(%arg11 : memref<!tpu.dma_semaphore, #tpu.memory_space<semaphore_mem>>)
    %dma_wait3A_285 = arith.constant 6 : i32
    %dma_wait3A_286 = arith.constant 6 : i32
    %dma_wait3A_287 = arith.constant 384 : i32
    %dma_wait3A_288 = arith.constant 0 : i32
    %dma_wait3A_289 = tpu.memref_slice %arg7[%dma_wait3A_287, %dma_wait3A_288] : memref<512x128xf32, #tpu.memory_space<vmem>> -> memref<64x128xf32, #tpu.memory_space<vmem>>
    %dma_wait3A_290 = arith.constant 0 : i32
    %dma_wait3A_291 = tpu.memref_slice %arg6[%dma_wait3A_285, %dma_wait3A_290] : memref<8x64xi32, #tpu.memory_space<vmem>> -> memref<1x64xi32, #tpu.memory_space<vmem>>
    %dma_wait3A_292 = tpu.memref_squeeze %dma_wait3A_291 : memref<1x64xi32, #tpu.memory_space<vmem>> -> memref<64xi32, #tpu.memory_space<vmem>>
    %dma_wait3A_293 = arith.constant 0 : i32
    %dma_wait3A_294 = arith.constant 0 : i32
    %dma_wait3A_295 = tpu.memref_slice %arg3[%dma_wait3A_293, %dma_wait3A_294] : memref<100000x128xf32, #tpu.memory_space<hbm>> -> memref<100000x128xf32, #tpu.memory_space<hbm>>
    %dma_wait3A_296 = tpu.memref_slice %arg10[%dma_wait3A_286] : memref<8x!tpu.dma_semaphore, #tpu.memory_space<semaphore_mem>> -> memref<1x!tpu.dma_semaphore, #tpu.memory_space<semaphore_mem>>
    %dma_wait3A_297 = tpu.memref_squeeze %dma_wait3A_296 : memref<1x!tpu.dma_semaphore, #tpu.memory_space<semaphore_mem>> -> memref<!tpu.dma_semaphore, #tpu.memory_space<semaphore_mem>>
    tpu.wait_indirect_dma semaphore(%dma_wait3A_297 : memref<!tpu.dma_semaphore, #tpu.memory_space<semaphore_mem>>) src(%dma_wait3A_295 : memref<100000x128xf32, #tpu.memory_space<hbm>>) dst(%dma_wait3A_289 : memref<64x128xf32, #tpu.memory_space<vmem>>)
    %add3A_298 = arith.constant 384 : i32
    %add3A_299 = arith.addi %mul3A_2, %add3A_298 : i32
    %dma_start3A_300 = arith.constant 384 : i32
    %dma_start3A_301 = arith.constant 32 : i32
    %dma_start3A_302 = tpu.memref_slice %arg7[%dma_start3A_300, %dma_start3A_301] : memref<512x128xf32, #tpu.memory_space<vmem>> -> memref<64x96xf32, #tpu.memory_space<vmem>>
    %dma_start3A_303 = arith.constant 32 : i32
    %dma_start3A_304 = tpu.memref_slice %arg5[%add3A_299, %dma_start3A_303] : memref<16384x128xf32, #tpu.memory_space<hbm>> -> memref<64x96xf32, #tpu.memory_space<hbm>>
    %dma_start3A_305 = arith.constant 32 : i32
    %dma_start3A_306 = tpu.memref_slice %arg5[%add3A_299, %dma_start3A_305] : memref<16384x128xf32, #tpu.memory_space<hbm>> -> memref<64x96xf32, #tpu.memory_space<hbm>>
    %dma_start3A_307 = arith.constant 384 : i32
    %dma_start3A_308 = arith.constant 32 : i32
    %dma_start3A_309 = tpu.memref_slice %arg7[%dma_start3A_307, %dma_start3A_308] : memref<512x128xf32, #tpu.memory_space<vmem>> -> memref<64x96xf32, #tpu.memory_space<vmem>>
    tpu.enqueue_dma source(%dma_start3A_309 : memref<64x96xf32, #tpu.memory_space<vmem>>) target(%dma_start3A_306 : memref<64x96xf32, #tpu.memory_space<hbm>>) target_semaphore(%arg11 : memref<!tpu.dma_semaphore, #tpu.memory_space<semaphore_mem>>)
    %dma_wait3A_310 = arith.constant 7 : i32
    %dma_wait3A_311 = arith.constant 7 : i32
    %dma_wait3A_312 = arith.constant 448 : i32
    %dma_wait3A_313 = arith.constant 0 : i32
    %dma_wait3A_314 = tpu.memref_slice %arg7[%dma_wait3A_312, %dma_wait3A_313] : memref<512x128xf32, #tpu.memory_space<vmem>> -> memref<64x128xf32, #tpu.memory_space<vmem>>
    %dma_wait3A_315 = arith.constant 0 : i32
    %dma_wait3A_316 = tpu.memref_slice %arg6[%dma_wait3A_310, %dma_wait3A_315] : memref<8x64xi32, #tpu.memory_space<vmem>> -> memref<1x64xi32, #tpu.memory_space<vmem>>
    %dma_wait3A_317 = tpu.memref_squeeze %dma_wait3A_316 : memref<1x64xi32, #tpu.memory_space<vmem>> -> memref<64xi32, #tpu.memory_space<vmem>>
    %dma_wait3A_318 = arith.constant 0 : i32
    %dma_wait3A_319 = arith.constant 0 : i32
    %dma_wait3A_320 = tpu.memref_slice %arg3[%dma_wait3A_318, %dma_wait3A_319] : memref<100000x128xf32, #tpu.memory_space<hbm>> -> memref<100000x128xf32, #tpu.memory_space<hbm>>
    %dma_wait3A_321 = tpu.memref_slice %arg10[%dma_wait3A_311] : memref<8x!tpu.dma_semaphore, #tpu.memory_space<semaphore_mem>> -> memref<1x!tpu.dma_semaphore, #tpu.memory_space<semaphore_mem>>
    %dma_wait3A_322 = tpu.memref_squeeze %dma_wait3A_321 : memref<1x!tpu.dma_semaphore, #tpu.memory_space<semaphore_mem>> -> memref<!tpu.dma_semaphore, #tpu.memory_space<semaphore_mem>>
    tpu.wait_indirect_dma semaphore(%dma_wait3A_322 : memref<!tpu.dma_semaphore, #tpu.memory_space<semaphore_mem>>) src(%dma_wait3A_320 : memref<100000x128xf32, #tpu.memory_space<hbm>>) dst(%dma_wait3A_314 : memref<64x128xf32, #tpu.memory_space<vmem>>)
    %add3A_323 = arith.constant 448 : i32
    %add3A_324 = arith.addi %mul3A_2, %add3A_323 : i32
    %dma_start3A_325 = arith.constant 448 : i32
    %dma_start3A_326 = arith.constant 32 : i32
    %dma_start3A_327 = tpu.memref_slice %arg7[%dma_start3A_325, %dma_start3A_326] : memref<512x128xf32, #tpu.memory_space<vmem>> -> memref<64x96xf32, #tpu.memory_space<vmem>>
    %dma_start3A_328 = arith.constant 32 : i32
    %dma_start3A_329 = tpu.memref_slice %arg5[%add3A_324, %dma_start3A_328] : memref<16384x128xf32, #tpu.memory_space<hbm>> -> memref<64x96xf32, #tpu.memory_space<hbm>>
    %dma_start3A_330 = arith.constant 32 : i32
    %dma_start3A_331 = tpu.memref_slice %arg5[%add3A_324, %dma_start3A_330] : memref<16384x128xf32, #tpu.memory_space<hbm>> -> memref<64x96xf32, #tpu.memory_space<hbm>>
    %dma_start3A_332 = arith.constant 448 : i32
    %dma_start3A_333 = arith.constant 32 : i32
    %dma_start3A_334 = tpu.memref_slice %arg7[%dma_start3A_332, %dma_start3A_333] : memref<512x128xf32, #tpu.memory_space<vmem>> -> memref<64x96xf32, #tpu.memory_space<vmem>>
    tpu.enqueue_dma source(%dma_start3A_334 : memref<64x96xf32, #tpu.memory_space<vmem>>) target(%dma_start3A_331 : memref<64x96xf32, #tpu.memory_space<hbm>>) target_semaphore(%arg11 : memref<!tpu.dma_semaphore, #tpu.memory_space<semaphore_mem>>)
    %dma_wait3A_335 = arith.constant 0 : i32
    %dma_wait3A_336 = tpu.memref_slice %arg5[%mul3A_2, %dma_wait3A_335] : memref<16384x128xf32, #tpu.memory_space<hbm>> -> memref<512x32xf32, #tpu.memory_space<hbm>>
    %dma_wait3A_337 = arith.constant 0 : i32
    %dma_wait3A_338 = tpu.memref_slice %arg5[%mul3A_2, %dma_wait3A_337] : memref<16384x128xf32, #tpu.memory_space<hbm>> -> memref<512x32xf32, #tpu.memory_space<hbm>>
    tpu.wait_dma2 semaphore(%arg11 : memref<!tpu.dma_semaphore, #tpu.memory_space<semaphore_mem>>) src(%arg9 : memref<512x32xf32, #tpu.memory_space<vmem>>) dst(%dma_wait3A_338 : memref<512x32xf32, #tpu.memory_space<hbm>>)
    %dma_wait3A_339 = arith.constant 0 : i32
    %dma_wait3A_340 = arith.constant 32 : i32
    %dma_wait3A_341 = tpu.memref_slice %arg7[%dma_wait3A_339, %dma_wait3A_340] : memref<512x128xf32, #tpu.memory_space<vmem>> -> memref<64x96xf32, #tpu.memory_space<vmem>>
    %dma_wait3A_342 = arith.constant 32 : i32
    %dma_wait3A_343 = tpu.memref_slice %arg5[%add3A_149, %dma_wait3A_342] : memref<16384x128xf32, #tpu.memory_space<hbm>> -> memref<64x96xf32, #tpu.memory_space<hbm>>
    %dma_wait3A_344 = arith.constant 32 : i32
    %dma_wait3A_345 = tpu.memref_slice %arg5[%add3A_149, %dma_wait3A_344] : memref<16384x128xf32, #tpu.memory_space<hbm>> -> memref<64x96xf32, #tpu.memory_space<hbm>>
    %dma_wait3A_346 = arith.constant 0 : i32
    %dma_wait3A_347 = arith.constant 32 : i32
    %dma_wait3A_348 = tpu.memref_slice %arg7[%dma_wait3A_346, %dma_wait3A_347] : memref<512x128xf32, #tpu.memory_space<vmem>> -> memref<64x96xf32, #tpu.memory_space<vmem>>
    tpu.wait_dma2 semaphore(%arg11 : memref<!tpu.dma_semaphore, #tpu.memory_space<semaphore_mem>>) src(%dma_wait3A_348 : memref<64x96xf32, #tpu.memory_space<vmem>>) dst(%dma_wait3A_345 : memref<64x96xf32, #tpu.memory_space<hbm>>)
    %dma_wait3A_349 = arith.constant 64 : i32
    %dma_wait3A_350 = arith.constant 32 : i32
    %dma_wait3A_351 = tpu.memref_slice %arg7[%dma_wait3A_349, %dma_wait3A_350] : memref<512x128xf32, #tpu.memory_space<vmem>> -> memref<64x96xf32, #tpu.memory_space<vmem>>
    %dma_wait3A_352 = arith.constant 32 : i32
    %dma_wait3A_353 = tpu.memref_slice %arg5[%add3A_174, %dma_wait3A_352] : memref<16384x128xf32, #tpu.memory_space<hbm>> -> memref<64x96xf32, #tpu.memory_space<hbm>>
    %dma_wait3A_354 = arith.constant 32 : i32
    %dma_wait3A_355 = tpu.memref_slice %arg5[%add3A_174, %dma_wait3A_354] : memref<16384x128xf32, #tpu.memory_space<hbm>> -> memref<64x96xf32, #tpu.memory_space<hbm>>
    %dma_wait3A_356 = arith.constant 64 : i32
    %dma_wait3A_357 = arith.constant 32 : i32
    %dma_wait3A_358 = tpu.memref_slice %arg7[%dma_wait3A_356, %dma_wait3A_357] : memref<512x128xf32, #tpu.memory_space<vmem>> -> memref<64x96xf32, #tpu.memory_space<vmem>>
    tpu.wait_dma2 semaphore(%arg11 : memref<!tpu.dma_semaphore, #tpu.memory_space<semaphore_mem>>) src(%dma_wait3A_358 : memref<64x96xf32, #tpu.memory_space<vmem>>) dst(%dma_wait3A_355 : memref<64x96xf32, #tpu.memory_space<hbm>>)
    %dma_wait3A_359 = arith.constant 128 : i32
    %dma_wait3A_360 = arith.constant 32 : i32
    %dma_wait3A_361 = tpu.memref_slice %arg7[%dma_wait3A_359, %dma_wait3A_360] : memref<512x128xf32, #tpu.memory_space<vmem>> -> memref<64x96xf32, #tpu.memory_space<vmem>>
    %dma_wait3A_362 = arith.constant 32 : i32
    %dma_wait3A_363 = tpu.memref_slice %arg5[%add3A_199, %dma_wait3A_362] : memref<16384x128xf32, #tpu.memory_space<hbm>> -> memref<64x96xf32, #tpu.memory_space<hbm>>
    %dma_wait3A_364 = arith.constant 32 : i32
    %dma_wait3A_365 = tpu.memref_slice %arg5[%add3A_199, %dma_wait3A_364] : memref<16384x128xf32, #tpu.memory_space<hbm>> -> memref<64x96xf32, #tpu.memory_space<hbm>>
    %dma_wait3A_366 = arith.constant 128 : i32
    %dma_wait3A_367 = arith.constant 32 : i32
    %dma_wait3A_368 = tpu.memref_slice %arg7[%dma_wait3A_366, %dma_wait3A_367] : memref<512x128xf32, #tpu.memory_space<vmem>> -> memref<64x96xf32, #tpu.memory_space<vmem>>
    tpu.wait_dma2 semaphore(%arg11 : memref<!tpu.dma_semaphore, #tpu.memory_space<semaphore_mem>>) src(%dma_wait3A_368 : memref<64x96xf32, #tpu.memory_space<vmem>>) dst(%dma_wait3A_365 : memref<64x96xf32, #tpu.memory_space<hbm>>)
    %dma_wait3A_369 = arith.constant 192 : i32
    %dma_wait3A_370 = arith.constant 32 : i32
    %dma_wait3A_371 = tpu.memref_slice %arg7[%dma_wait3A_369, %dma_wait3A_370] : memref<512x128xf32, #tpu.memory_space<vmem>> -> memref<64x96xf32, #tpu.memory_space<vmem>>
    %dma_wait3A_372 = arith.constant 32 : i32
    %dma_wait3A_373 = tpu.memref_slice %arg5[%add3A_224, %dma_wait3A_372] : memref<16384x128xf32, #tpu.memory_space<hbm>> -> memref<64x96xf32, #tpu.memory_space<hbm>>
    %dma_wait3A_374 = arith.constant 32 : i32
    %dma_wait3A_375 = tpu.memref_slice %arg5[%add3A_224, %dma_wait3A_374] : memref<16384x128xf32, #tpu.memory_space<hbm>> -> memref<64x96xf32, #tpu.memory_space<hbm>>
    %dma_wait3A_376 = arith.constant 192 : i32
    %dma_wait3A_377 = arith.constant 32 : i32
    %dma_wait3A_378 = tpu.memref_slice %arg7[%dma_wait3A_376, %dma_wait3A_377] : memref<512x128xf32, #tpu.memory_space<vmem>> -> memref<64x96xf32, #tpu.memory_space<vmem>>
    tpu.wait_dma2 semaphore(%arg11 : memref<!tpu.dma_semaphore, #tpu.memory_space<semaphore_mem>>) src(%dma_wait3A_378 : memref<64x96xf32, #tpu.memory_space<vmem>>) dst(%dma_wait3A_375 : memref<64x96xf32, #tpu.memory_space<hbm>>)
    %dma_wait3A_379 = arith.constant 256 : i32
    %dma_wait3A_380 = arith.constant 32 : i32
    %dma_wait3A_381 = tpu.memref_slice %arg7[%dma_wait3A_379, %dma_wait3A_380] : memref<512x128xf32, #tpu.memory_space<vmem>> -> memref<64x96xf32, #tpu.memory_space<vmem>>
    %dma_wait3A_382 = arith.constant 32 : i32
    %dma_wait3A_383 = tpu.memref_slice %arg5[%add3A_249, %dma_wait3A_382] : memref<16384x128xf32, #tpu.memory_space<hbm>> -> memref<64x96xf32, #tpu.memory_space<hbm>>
    %dma_wait3A_384 = arith.constant 32 : i32
    %dma_wait3A_385 = tpu.memref_slice %arg5[%add3A_249, %dma_wait3A_384] : memref<16384x128xf32, #tpu.memory_space<hbm>> -> memref<64x96xf32, #tpu.memory_space<hbm>>
    %dma_wait3A_386 = arith.constant 256 : i32
    %dma_wait3A_387 = arith.constant 32 : i32
    %dma_wait3A_388 = tpu.memref_slice %arg7[%dma_wait3A_386, %dma_wait3A_387] : memref<512x128xf32, #tpu.memory_space<vmem>> -> memref<64x96xf32, #tpu.memory_space<vmem>>
    tpu.wait_dma2 semaphore(%arg11 : memref<!tpu.dma_semaphore, #tpu.memory_space<semaphore_mem>>) src(%dma_wait3A_388 : memref<64x96xf32, #tpu.memory_space<vmem>>) dst(%dma_wait3A_385 : memref<64x96xf32, #tpu.memory_space<hbm>>)
    %dma_wait3A_389 = arith.constant 320 : i32
    %dma_wait3A_390 = arith.constant 32 : i32
    %dma_wait3A_391 = tpu.memref_slice %arg7[%dma_wait3A_389, %dma_wait3A_390] : memref<512x128xf32, #tpu.memory_space<vmem>> -> memref<64x96xf32, #tpu.memory_space<vmem>>
    %dma_wait3A_392 = arith.constant 32 : i32
    %dma_wait3A_393 = tpu.memref_slice %arg5[%add3A_274, %dma_wait3A_392] : memref<16384x128xf32, #tpu.memory_space<hbm>> -> memref<64x96xf32, #tpu.memory_space<hbm>>
    %dma_wait3A_394 = arith.constant 32 : i32
    %dma_wait3A_395 = tpu.memref_slice %arg5[%add3A_274, %dma_wait3A_394] : memref<16384x128xf32, #tpu.memory_space<hbm>> -> memref<64x96xf32, #tpu.memory_space<hbm>>
    %dma_wait3A_396 = arith.constant 320 : i32
    %dma_wait3A_397 = arith.constant 32 : i32
    %dma_wait3A_398 = tpu.memref_slice %arg7[%dma_wait3A_396, %dma_wait3A_397] : memref<512x128xf32, #tpu.memory_space<vmem>> -> memref<64x96xf32, #tpu.memory_space<vmem>>
    tpu.wait_dma2 semaphore(%arg11 : memref<!tpu.dma_semaphore, #tpu.memory_space<semaphore_mem>>) src(%dma_wait3A_398 : memref<64x96xf32, #tpu.memory_space<vmem>>) dst(%dma_wait3A_395 : memref<64x96xf32, #tpu.memory_space<hbm>>)
    %dma_wait3A_399 = arith.constant 384 : i32
    %dma_wait3A_400 = arith.constant 32 : i32
    %dma_wait3A_401 = tpu.memref_slice %arg7[%dma_wait3A_399, %dma_wait3A_400] : memref<512x128xf32, #tpu.memory_space<vmem>> -> memref<64x96xf32, #tpu.memory_space<vmem>>
    %dma_wait3A_402 = arith.constant 32 : i32
    %dma_wait3A_403 = tpu.memref_slice %arg5[%add3A_299, %dma_wait3A_402] : memref<16384x128xf32, #tpu.memory_space<hbm>> -> memref<64x96xf32, #tpu.memory_space<hbm>>
    %dma_wait3A_404 = arith.constant 32 : i32
    %dma_wait3A_405 = tpu.memref_slice %arg5[%add3A_299, %dma_wait3A_404] : memref<16384x128xf32, #tpu.memory_space<hbm>> -> memref<64x96xf32, #tpu.memory_space<hbm>>
    %dma_wait3A_406 = arith.constant 384 : i32
    %dma_wait3A_407 = arith.constant 32 : i32
    %dma_wait3A_408 = tpu.memref_slice %arg7[%dma_wait3A_406, %dma_wait3A_407] : memref<512x128xf32, #tpu.memory_space<vmem>> -> memref<64x96xf32, #tpu.memory_space<vmem>>
    tpu.wait_dma2 semaphore(%arg11 : memref<!tpu.dma_semaphore, #tpu.memory_space<semaphore_mem>>) src(%dma_wait3A_408 : memref<64x96xf32, #tpu.memory_space<vmem>>) dst(%dma_wait3A_405 : memref<64x96xf32, #tpu.memory_space<hbm>>)
    %dma_wait3A_409 = arith.constant 448 : i32
    %dma_wait3A_410 = arith.constant 32 : i32
    %dma_wait3A_411 = tpu.memref_slice %arg7[%dma_wait3A_409, %dma_wait3A_410] : memref<512x128xf32, #tpu.memory_space<vmem>> -> memref<64x96xf32, #tpu.memory_space<vmem>>
    %dma_wait3A_412 = arith.constant 32 : i32
    %dma_wait3A_413 = tpu.memref_slice %arg5[%add3A_324, %dma_wait3A_412] : memref<16384x128xf32, #tpu.memory_space<hbm>> -> memref<64x96xf32, #tpu.memory_space<hbm>>
    %dma_wait3A_414 = arith.constant 32 : i32
    %dma_wait3A_415 = tpu.memref_slice %arg5[%add3A_324, %dma_wait3A_414] : memref<16384x128xf32, #tpu.memory_space<hbm>> -> memref<64x96xf32, #tpu.memory_space<hbm>>
    %dma_wait3A_416 = arith.constant 448 : i32
    %dma_wait3A_417 = arith.constant 32 : i32
    %dma_wait3A_418 = tpu.memref_slice %arg7[%dma_wait3A_416, %dma_wait3A_417] : memref<512x128xf32, #tpu.memory_space<vmem>> -> memref<64x96xf32, #tpu.memory_space<vmem>>
    tpu.wait_dma2 semaphore(%arg11 : memref<!tpu.dma_semaphore, #tpu.memory_space<semaphore_mem>>) src(%dma_wait3A_418 : memref<64x96xf32, #tpu.memory_space<vmem>>) dst(%dma_wait3A_415 : memref<64x96xf32, #tpu.memory_space<hbm>>)
    return
  }
}

</mosaic_0001>

<sc_bundles>
// kernel: kernel.3.cloned.1.call-start
scs
__scs_entry_jumppad:
0x0: {  	(pc) =	sbr.rel $0x88, $3  }
0x1: {  	(tag) =	ssettag $0x0;
	lr =	simm.s32 $0x1  }
0x2: {  	[smem:$0x3F9E] =	sst lr;
	_ =	strace $0xD0000000  }
0x3: {  	_ = 	snop  }
0x4: {  	_ = 	snop  }
0x5: {  	_ = 	snop  }
0x6: {  	_ = 	snop  }
0x7: {  	_ = 	snop  }
__scs_overlays_trampoline_lowered:
0x8: {  	[smem:$0x3FAD] =	sst s0  }
0x9: {  	[smem:$0x3FAE] =	sst s1  }
0xa: {  	[smem:$0x3FAF] =	sst s2  }
0xb: {  	[smem:$0x3FB0] =	sst s3  }
0xc: {  	[smem:$0x3FB1] =	sst s4  }
0xd: {  	[smem:$0x3FB2] =	sst s5  }
0xe: {  	[smem:$0x3FB3] =	sst s6  }
0xf: {  	[smem:$0x3FB4] =	sst s7  }
0x10: {  	[smem:$0x3FB5] =	sst s8  }
0x11: {  	[smem:$0x3FB6] =	sst s9;
	s0 =	simm.s32 @!p0 $0x0  }
0x12: {  	s1 =	sld [smem:$0x3F9C];
	s0 =	simm.s32 @p0 $0x1  }
0x13: {  	[smem:$0x3FB7] =	sst s0;
	s0 =	simm.s32 @!p1 $0x0  }
0x14: {  	s2 =	sld [smem:$0x3F9B];
	s0 =	simm.s32 @p1 $0x1  }
0x15: {  	[smem:$0x3FB8] =	sst s0;
	s0 =	simm.s32 @!p2 $0x0  }
0x16: {  	s3 =	sld [smem:$0x3FDB];
	s0 =	simm.s32 @p2 $0x1  }
0x17: {  	s4 =	simm.s32 $0x1BF5;
	[smem:$0x3FBA] =	sst s0  }
0x18: {  	s0 =	sld [smem:$0x3F9D];
	_ =	swait.ge [sflag:s4], $0x0  }
0x19: {  	s7 =	sld [smem:$0x3F9E]  }
0x1a: {  	s8 =	sadd.s32 $0xFFFFE003, lr  }
0x1b: {  	s9 =	sadd.s32 $0xFFFFFEF7, lr;
	s5 =	simm.s32 $0xFFFFFFFF;
	p2 =	slt.u32 s8, $0xFFFFF086  }
0x1c: {  	p1 =	slt.u32 s9, $0xF7A;
	s5 =	simm.s32 @!p2 $0x0  }
0x1d: {  	s5 =	simm.s32 @p1 $0x1;
	p0 =	seq.s32 s7, s2  }
0x1e: {  	s7 =	smul.u32 @!p0 $0xF7A, s2;
	p2 =	seq.s32 @!p0 s5, $0x0  }
0x1f: {  	s9 =	smul.u32 $0xF7A, s1;
	s8 =	simm.s32 @!p0 $0x1BF5;
	p2 =	por !p2, p0  }
0x20: {  	[sflag:s8] =	ssyncset.s32 @!p0 $0xFFFFF086;
	s6 =	sadd.s32 @!p0 s3, s7;
	s7 =	simm.s32 @!p0 $0x108  }
0x21: {  	s3 =	sadd.s32 s3, s9;
	s6 =	sadd.s32 @!p0 $0x88, s6;
	s7 =	simm.s32 @p2 $0x1082  }
0x22: {  	[simem:s7], [sflag:s8] =	dma.local @!p0 [hbm:s6], $0xF7A  }
0x23: {  	s9 =	sor.u32 $0xD0000000, s2;
	s6 =	simm.s32 $0x108;
	_ =	swait.ge @!p0 [sflag:s8], $0x0  }
0x24: {  	s3 =	sadd.s32 $0x88, s3;
	s6 =	simm.s32 @!p1 $0x1082;
	[sflag:s4] =	ssyncset.s32 $0xFFFFF086  }
0x25: {  	[simem:s6], [sflag:s4] =	dma.local [hbm:s3], $0xF7A  }
0x26: {  	[smem:$0x3F9E] =	sst s1;
	(tag) =	ssettag s2;
	_ =	strace s9  }
0x27: {  	s1 =	sld [smem:$0x3FAE]  }
0x28: {  	s2 =	sld [smem:$0x3FAF]  }
0x29: {  	s4 =	sld [smem:$0x3FB1]  }
0x2a: {  	p0 =	seq.s32 s5, $0x0;
	s5 =	sld [smem:$0x3FB2]  }
0x2b: {  	s6 =	sld [smem:$0x3FB3]  }
0x2c: {  	s7 =	sld [smem:$0x3FB4]  }
0x2d: {  	s3 =	simm.s32 $0x108;
	s8 =	sld [smem:$0x3FB5]  }
0x2e: {  	s3 =	simm.s32 @!p0 $0x1082;
	s9 =	sld [smem:$0x3FB6]  }
0x2f: {  	lr =	sadd.s32 s0, s3;
	s0 =	sld [smem:$0x3FAD]  }
0x30: {  	s3 =	sld [smem:$0x3FB0]  }
0x31: {  	[smem:$0x3FB9] =	sst s10  }
0x32: {  	s10 =	sld [smem:$0x3FB7];
	_ =	sdelay $0x3  }
0x33: {  	p0 =	seq.s32 s10, $0x1;
	s10 =	sld [smem:$0x3FB9];
	_ =	sdelay $0x3  }
0x34: {  	[smem:$0x3FB9] =	sst s10  }
0x35: {  	s10 =	sld [smem:$0x3FB8];
	_ =	sdelay $0x3  }
0x36: {  	p1 =	seq.s32 s10, $0x1;
	s10 =	sld [smem:$0x3FB9];
	_ =	sdelay $0x3  }
0x37: {  	[smem:$0x3FB9] =	sst s10  }
0x38: {  	s10 =	sld [smem:$0x3FBA]  }
0x39: {  	_ = 	snop;
	(pc) =	sbr.ind lr, $3  }
0x3a: {  	_ = 	snop  }
0x3b: {  	_ = 	snop  }
0x3c: {  	p2 =	seq.s32 s10, $0x1;
	s10 =	sld [smem:$0x3FB9]  }
0x3d: {  	_ =	shalt  }
0x3e: {  	_ =	shalt  }
0x3f: {  	_ =	shalt  }
0x40: {  	_ =	shalt  }
0x41: {  	_ =	shalt  }
0x42: {  	_ =	shalt  }
0x43: {  	_ =	shalt  }
0x44: {  	_ =	shalt  }
0x45: {  	_ =	shalt  }
0x46: {  	_ =	shalt  }
0x47: {  	_ =	shalt  }
0x48: {  	_ =	shalt  }
0x49: {  	_ =	shalt  }
0x4a: {  	_ =	shalt  }
0x4b: {  	_ =	shalt  }
0x4c: {  	_ =	shalt  }
0x4d: {  	_ =	shalt  }
0x4e: {  	_ =	shalt  }
0x4f: {  	_ =	shalt  }
0x50: {  	_ =	shalt  }
0x51: {  	_ =	shalt  }
0x52: {  	_ =	shalt  }
0x53: {  	_ =	shalt  }
0x54: {  	_ =	shalt  }
0x55: {  	_ =	shalt  }
0x56: {  	_ =	shalt  }
0x57: {  	_ =	shalt  }
0x58: {  	_ =	shalt  }
0x59: {  	_ =	shalt  }
0x5a: {  	_ =	shalt  }
0x5b: {  	_ =	shalt  }
0x5c: {  	_ =	shalt  }
0x5d: {  	_ =	shalt  }
0x5e: {  	_ =	shalt  }
0x5f: {  	_ =	shalt  }
0x60: {  	_ =	shalt  }
0x61: {  	_ =	shalt  }
0x62: {  	_ =	shalt  }
0x63: {  	_ =	shalt  }
0x64: {  	_ =	shalt  }
0x65: {  	_ =	shalt  }
0x66: {  	_ =	shalt  }
0x67: {  	_ =	shalt  }
0x68: {  	_ =	shalt  }
0x69: {  	_ =	shalt  }
0x6a: {  	_ =	shalt  }
0x6b: {  	_ =	shalt  }
0x6c: {  	_ =	shalt  }
0x6d: {  	_ =	shalt  }
0x6e: {  	_ =	shalt  }
0x6f: {  	_ =	shalt  }
0x70: {  	_ =	shalt  }
0x71: {  	_ =	shalt  }
0x72: {  	_ =	shalt  }
0x73: {  	_ =	shalt  }
0x74: {  	_ =	shalt  }
0x75: {  	_ =	shalt  }
0x76: {  	_ =	shalt  }
0x77: {  	_ =	shalt  }
0x78: {  	_ =	shalt  }
0x79: {  	_ =	shalt  }
0x7a: {  	_ =	shalt  }
0x7b: {  	_ =	shalt  }
0x7c: {  	_ =	shalt  }
0x7d: {  	_ =	shalt  }
0x7e: {  	_ =	shalt  }
0x7f: {  	_ =	shalt  }
0x80: {  	_ =	shalt  }
0x81: {  	_ =	shalt  }
0x82: {  	_ =	shalt  }
0x83: {  	_ =	shalt  }
0x84: {  	_ =	shalt  }
0x85: {  	_ =	shalt  }
0x86: {  	_ =	shalt  }
0x87: {  	_ =	shalt  }
.Lfunc_end0:
.L_simem_size_0:
called_computation_lowered:
.L_overlay_start_0:
0x88: {  	s2 =	sld [smem:$0x3FD9]  }
0x89: {  	s3 =	sld [smem:$0x3FFE];
	_ =	sdelay $0x1  }
0x8a: {  	s1 =	srdreg.scid  }
0x8b: {  	s0 =	sand.u32 $0x1, s1  }
0x8c: {  	s18 =	sshll.u32 s0, $0xA;
	s2 =	sadd.s32 s3, s2  }
0x8d: {  	s2 =	sadd.s32 s2, s18  }
0x8e: {  	[smem:$0x3FC5] =	sst s2  }
0x8f: {  	_ = 	snop  }
0x90: {  	s2 =	sld [smem:$0x3FC9]  }
0x91: {  	s19 =	sld [smem:$0x3FC8]  }
0x92: {  	s4 =	sld [smem:$0x3FC7]  }
0x93: {  	s5 =	sld [smem:$0x3FD0];
	(tm) =	ssettm $0x1  }
0x94: {  	s6 =	sld [smem:$0x3FFB];
	_ =	sdelay $0x3  }
0x95: {  	_ =	strace s6  }
0x96: {  	s6 =	sld [smem:$0x3FFC];
	_ =	sdelay $0x3  }
0x97: {  	_ =	strace s6  }
0x98: {  	s6 =	sld [smem:$0x3FFD];
	_ =	sdelay $0x3  }
0x99: {  	_ =	strace s6  }
0x9a: {  	_ =	strace $0x8FFFFFFF  }
0x9b: {  	s20 =	sld [smem:$0x3FDB];
	_ =	sdelay $0x1  }
0x9c: {  	s7 =	simm.s32 $_scs_section_size  }
0x9d: {  	s8 =	simm.s32 $_size__tile_overlayer_lowered;
	s9 =	simm.s32 $_tile_overlayer_lowered  }
0x9e: {  	s23 =	simm.s32 $0x1BFF;
	s22 =	sshll.u32 s9, $0x1;
	s6 =	sadd.s32 s7, s20  }
0x9f: {  	s10 =	simm.s32 $0x0;
	s21 =	sshll.u32 s8, $0x1;
	s8 =	sadd.s32 s22, s6  }
0xa0: {  	[timem:s10], [sflag:s23] =	dma.local [hbm:s8], s21  }
0xa1: {  	_ =	swait.ge [sflag:s23], s21  }
0xa2: {  	s7 =	ssub.s32 $0x0, s21;
	[sflag:s23] =	ssyncset.done $0x0  }
0xa3: {  	[sflag:s23] =	ssyncadd.s32 s7;
	_ =	sdelay $0x1  }
0xa4: {  	s24 =	simm.s32 $0x1B8B  }
0xa5: {  	_ =	swait.ge [sflag:s24], $0x1  }
0xa6: {  	[sflag:s24] =	ssyncset.done $0x0  }
0xa7: {  	s25 =	simm.s32 $0x1B8E;
	[sflag:s24] =	ssyncadd.s32 $0xFFFFFFFF  }
0xa8: {  	s26 =	simm.s32 $execute0_lowered;
	[smem:$0x3FD2] =	sst s25  }
0xa9: {  	s7 =	sshll.u32 s26, $0x1;
	_ =	strace $0x80000046;
	[dreg:$0x1] =	wrdreg $0xFFFFFFFF  }
0xaa: {  	s28 =	simm.s32 $_size_execute0_lowered;
	s6 =	sadd.s32 s6, s7;
	[dreg:$0x0] =	wrdreg $0x0  }
0xab: {  	s7 =	sshll.u32 s28, $0x1;
	[dreg:$0x2] =	wrdreg s6  }
0xac: {  	[dreg:$0x3] =	wrdreg s7  }
0xad: {  	[dreg:$0x4] =	wrdreg $0xC0  }
0xae: {  	_ =	task [dreg:s10], $0x5FFFF  }
0xaf: {  	[dreg:$0x1] =	wrdreg $0xFFFFFFFF  }
0xb0: {  	[dreg:$0x0] =	wrdreg $0x60  }
0xb1: {  	[dreg:$0x2] =	wrdreg s2  }
0xb2: {  	[dreg:$0x3] =	wrdreg s19  }
0xb3: {  	[dreg:$0x4] =	wrdreg s4  }
0xb4: {  	[dreg:$0x5] =	wrdreg s5  }
0xb5: {  	[dreg:$0x6] =	wrdreg $0x9  }
0xb6: {  	_ =	task.clear_ibuf [dreg:s10], $0x7FFFF;
	_ =	strace $0x90000046  }
0xb7: {  	s29 =	simm.s32 $0x9;
	_ =	strace $0x80000048  }
0xb8: {  	_ =	swait.ge [sflag:s29], $0x1  }
0xb9: {  	[sflag:s29] =	ssyncadd.s32 $0xFFFFFFFF  }
0xba: {  	_ =	strace $0x90000048  }
0xbb: {  	_ =	sfence  }
0xbc: {  	s30 =	sld [smem:$0x0];
	_ =	sdelay $0x2  }
0xbd: {  	s31 =	sshll.u32 s1, $0xD;
	s1 =	sshrl.u32 s1, $0x2  }
0xbe: {  	s3 =	sand.u32 $0x4000, s31;
	s1 =	sadd.s32 s1, s30  }
0xbf: {  	s0 =	sor.u32 s3, s0;
	s1 =	sshll.u32 s1, $0x11  }
0xc0: {  	s0 =	sor.u32 s1, s0  }
0xc1: {  	s0 =	sadd.s32 $0x8F2B, s0  }
0xc2: {  	[sflag:s0] =	ssyncadd.remote.s32 $0x1  }
0xc3: {  	_ =	sfence.sel $0xFFFF  }
0xc4: {  	[dreg:$0x0] =	wrdreg $0xFFFFFFFF;
	(pc) =	sbr.abs _section_cstart, $3  }
0xc5: {  	[dreg:$0x1] =	wrdreg $0xFFFFFFFF  }
0xc6: {  	_ =	task.clear_ibuf [dreg:s10], $0x2FFFF;
	_ =	strace $0x9FFFFFFF  }
0xc7: {  	(tm) =	ssettm $0x7FFFFFFF  }
tec
execute0_lowered:
.L_overlay_start_1:
0x0: {  	(tag) =	ssettag $0x1  }
0x1: {  	s0 =	rddreg [dreg:$0x0]  }
0x2: {  	s1 =	rddreg [dreg:$0x1]  }
0x3: {  	s2 =	rddreg [dreg:$0x3]  }
0x4: {  	s3 =	srdreg.scid;
	s5 =	stileid.u32;
	s4 =	simm.s32 $0x0  }
0x5: {  	s17 =	simm.s32 $0x9;
	s18 =	simm.s32 $0x40;
	s21 =	simm.s32 $0x80  }
0x6: {  	s16 =	simm.s32 $0x10220;
	s19 =	simm.s32 $0x1;
	s20 =	simm.s32 $0x2  }
0x7: {  	s22 =	simm.s32 $0x3;
	s23 =	simm.s32 $0x4;
	s24 =	simm.s32 $0x5  }
0x8: {  	s25 =	simm.s32 $0x6;
	s26 =	simm.s32 $0x7;
	s28 =	simm.s32 $0x8  }
0x9: {  	s29 =	simm.s32 $0x0;
	s3 =	sand.u32 $0x1, s3;
	s5 =	sshll.u32 s5, $0xA  }
0xa: {  	[smem:$0x7FF] =	sst s4;
	s6 =	sshll.u32 s3, $0x9;
	s3 =	ssub.s32 $0x2, s3  }
0xb: {  	_ =	strace $0x80000047;
	s5 =	sor.u32 s6, s5;
	s7 =	sshrl.u32 s3, $0x1  }
0xc: {  	s6 =	sshll.u32 s5, $0x4;
	s8 =	sshrl.u32 s5, $0x3;
	s31 =	ssub.s32 s3, s7  }
0xd: {  	s3 =	simm.s32 $0x20;
	s5 =	sadd.s32 s2, s6;
	s6 =	sadd.s32 s0, s8  }
0xe: {  	s15 =	smax.u32 s31, $0x1;
	s7 =	sadd.s32 $0x4, s5;
	s8 =	sadd.s32 $0x404, s5  }
0xf: {  	s9 =	sadd.s32 $0x804, s5;
	s10 =	sadd.s32 $0xC04, s5;
	s11 =	sadd.s32 $0x1004, s5  }
0x10: {  	s12 =	sadd.s32 $0x1404, s5;
	s13 =	sadd.s32 $0x1804, s5;
	s14 =	sadd.s32 $0x1C04, s5  }
.LBB2_1:
0x11: {  	[tilespmem:s4], [sflag:$0x9] =	stream.linear.gather [hbm4b:s6+s4], $0x200, $0x38;
	[tilespmem:$0x14220] =	vst v63  }
0x12: {  	s0 =	rddreg [dreg:$0x2];
	s2 =	simm.s32 $0x10200  }
0x13: {  	[tilespmem:s2], [sflag:$0x9] =	stream.linear.gather [hbm4b:s0+s4], $0x20, $0x38;
	[tilespmem:$0x14220] =	vst v63  }
0x14: {  	_ =	swait.ge [sflag:s17], $0x200  }
0x15: {  	[sflag:s17] =	ssyncset.done $0x0  }
0x16: {  	s31 =	simm.s32 $0x200;
	[sflag:s17] =	ssyncadd.s32 $0xFFFFFE00  }
0x17: {  	[tilespmem:s31], [sflag:$0x1] =	stream.indirect.gather [hbm4b:s1+s18], $0x80, s4, s18, $0xb8;
	[tilespmem:$0x14220] =	vst v63  }
0x18: {  	s2 =	simm.s32 $0x2200  }
0x19: {  	[tilespmem:s2], [sflag:$0x2] =	stream.indirect.gather [hbm4b:s1+s18], $0x80, s18, s18, $0xb8;
	[tilespmem:$0x14220] =	vst v63  }
0x1a: {  	s31 =	simm.s32 $0x4200  }
0x1b: {  	[tilespmem:s31], [sflag:$0x3] =	stream.indirect.gather [hbm4b:s1+s18], $0x80, s21, s18, $0xb8;
	[tilespmem:$0x14220] =	vst v63  }
0x1c: {  	s2 =	simm.s32 $0xC0;
	s31 =	simm.s32 $0x6200  }
0x1d: {  	[tilespmem:s31], [sflag:$0x4] =	stream.indirect.gather [hbm4b:s1+s18], $0x80, s2, s18, $0xb8;
	[tilespmem:$0x14220] =	vst v63  }
0x1e: {  	s2 =	simm.s32 $0x100;
	s31 =	simm.s32 $0x8200  }
0x1f: {  	[tilespmem:s31], [sflag:$0x5] =	stream.indirect.gather [hbm4b:s1+s18], $0x80, s2, s18, $0xb8;
	[tilespmem:$0x14220] =	vst v63  }
0x20: {  	s2 =	simm.s32 $0x140;
	s31 =	simm.s32 $0xA200  }
0x21: {  	[tilespmem:s31], [sflag:$0x6] =	stream.indirect.gather [hbm4b:s1+s18], $0x80, s2, s18, $0xb8;
	[tilespmem:$0x14220] =	vst v63  }
0x22: {  	s2 =	simm.s32 $0x180;
	s31 =	simm.s32 $0xC200  }
0x23: {  	[tilespmem:s31], [sflag:$0x7] =	stream.indirect.gather [hbm4b:s1+s18], $0x80, s2, s18, $0xb8;
	[tilespmem:$0x14220] =	vst v63  }
0x24: {  	s2 =	simm.s32 $0x1C0;
	s31 =	simm.s32 $0xE200  }
0x25: {  	[tilespmem:s31], [sflag:$0x8] =	stream.indirect.gather [hbm4b:s1+s18], $0x80, s2, s18, $0xb8;
	[tilespmem:$0x14220] =	vst v63  }
0x26: {  	_ =	swait.ge [sflag:s17], $0x20  }
0x27: {  	[sflag:s17] =	ssyncset.done $0x0  }
0x28: {  	[sflag:s17] =	ssyncadd.s32 $0xFFFFFFE0  }
0x29: {  	v0 =	vld [tilespmem:$0x10200]  }
0x2a: {  	v1 =	vld [tilespmem:$0x10210];
	_ =	sdelay $0x2  }
0x2b: {  	s30 =	simm.s32 $0x80;
	s0 =	simm.s32 $0x0  }
.LBB2_2:
0x2c: {  	p0 =	sne.s32 s30, $0xFF80;
	[tilespmem:s0+$0x10220] =	vst v0;
	s2 =	smov.u32 s30;
	s30 =	sadd.s32 $0x80, s30  }
.Ltmp0:
0x2d: {  	[tilespmem:s0+$0x10230] =	vst v1;
	(pc) =	sbr.rel @p0 .LBB2_2-.Ltmp0, $2  }
0x2e: {  	_ =	sdelay $0x2  }
0x2f: {  	s0 =	sshra.s32 s2, $0x2  }
0x30: {  	[tilespmem:s0+$0x10220] =	vst v0  }
0x31: {  	[tilespmem:s0+$0x10230] =	vst v1  }
0x32: {  	[hbm4b:s5+s3] =	stream.strided.scatter [tilespmem:s16], [sflag:$0x9], $0x4000, s21, s3, $0x38;
	[tilespmem:$0x14220] =	vst v63  }
0x33: {  	_ =	swait.ge [sflag:s19], $0x2000  }
0x34: {  	s30 =	simm.s32 $0x220;
	s31 =	simm.s32 $0x10;
	[sflag:s19] =	ssyncset.done $0x0  }
0x35: {  	s2 =	sadd.s32 $0x0, s7;
	s0 =	simm.s32 $0x2A0;
	[sflag:s19] =	ssyncadd.s32 $0xFFFFE000  }
.LBB2_4:
0x36: {  	[hbm4b:s2+s4] =	stream.linear.scatter [tilespmem:s30], [sflag:$0x9], $0x60, $0x38;
	[tilespmem:$0x14220] =	vst v63  }
0x37: {  	s2 =	smov.u32 s31;
	s30 =	smov.u32 s0;
	p0 =	sne.s32 s31, $0x3F0  }
.Ltmp1:
0x38: {  	s31 =	sadd.s32 $0x10, s31;
	(pc) =	sbr.rel @p0 .LBB2_4-.Ltmp1, $2  }
0x39: {  	_ =	sdelay $0x2  }
0x3a: {  	s0 =	sadd.s32 $0x80, s0;
	s2 =	sadd.s32 s2, s7  }
0x3b: {  	[hbm4b:s2+s4] =	stream.linear.scatter [tilespmem:s30], [sflag:$0x9], $0x60, $0x38;
	[tilespmem:$0x14220] =	vst v63  }
0x3c: {  	_ =	swait.ge [sflag:s20], $0x2000  }
0x3d: {  	s30 =	simm.s32 $0x2220;
	s31 =	simm.s32 $0x10;
	[sflag:s20] =	ssyncset.done $0x0  }
0x3e: {  	s2 =	sadd.s32 $0x0, s8;
	s0 =	simm.s32 $0x22A0;
	[sflag:s20] =	ssyncadd.s32 $0xFFFFE000  }
.LBB2_6:
0x3f: {  	[hbm4b:s2+s4] =	stream.linear.scatter [tilespmem:s30], [sflag:$0x9], $0x60, $0x38;
	[tilespmem:$0x14220] =	vst v63  }
0x40: {  	s2 =	smov.u32 s31;
	s30 =	smov.u32 s0;
	p0 =	sne.s32 s31, $0x3F0  }
.Ltmp2:
0x41: {  	s31 =	sadd.s32 $0x10, s31;
	(pc) =	sbr.rel @p0 .LBB2_6-.Ltmp2, $2  }
0x42: {  	_ =	sdelay $0x2  }
0x43: {  	s0 =	sadd.s32 $0x80, s0;
	s2 =	sadd.s32 s2, s8  }
0x44: {  	[hbm4b:s2+s4] =	stream.linear.scatter [tilespmem:s30], [sflag:$0x9], $0x60, $0x38;
	[tilespmem:$0x14220] =	vst v63  }
0x45: {  	_ =	swait.ge [sflag:s22], $0x2000  }
0x46: {  	s30 =	simm.s32 $0x4220;
	s31 =	simm.s32 $0x10;
	[sflag:s22] =	ssyncset.done $0x0  }
0x47: {  	s2 =	sadd.s32 $0x0, s9;
	s0 =	simm.s32 $0x42A0;
	[sflag:s22] =	ssyncadd.s32 $0xFFFFE000  }
.LBB2_8:
0x48: {  	[hbm4b:s2+s4] =	stream.linear.scatter [tilespmem:s30], [sflag:$0x9], $0x60, $0x38;
	[tilespmem:$0x14220] =	vst v63  }
0x49: {  	s2 =	smov.u32 s31;
	s30 =	smov.u32 s0;
	p0 =	sne.s32 s31, $0x3F0  }
.Ltmp3:
0x4a: {  	s31 =	sadd.s32 $0x10, s31;
	(pc) =	sbr.rel @p0 .LBB2_8-.Ltmp3, $2  }
0x4b: {  	_ =	sdelay $0x2  }
0x4c: {  	s0 =	sadd.s32 $0x80, s0;
	s2 =	sadd.s32 s2, s9  }
0x4d: {  	[hbm4b:s2+s4] =	stream.linear.scatter [tilespmem:s30], [sflag:$0x9], $0x60, $0x38;
	[tilespmem:$0x14220] =	vst v63  }
0x4e: {  	_ =	swait.ge [sflag:s23], $0x2000  }
0x4f: {  	s30 =	simm.s32 $0x6220;
	s31 =	simm.s32 $0x10;
	[sflag:s23] =	ssyncset.done $0x0  }
0x50: {  	s2 =	sadd.s32 $0x0, s10;
	s0 =	simm.s32 $0x62A0;
	[sflag:s23] =	ssyncadd.s32 $0xFFFFE000  }
.LBB2_10:
0x51: {  	[hbm4b:s2+s4] =	stream.linear.scatter [tilespmem:s30], [sflag:$0x9], $0x60, $0x38;
	[tilespmem:$0x14220] =	vst v63  }
0x52: {  	s2 =	smov.u32 s31;
	s30 =	smov.u32 s0;
	p0 =	sne.s32 s31, $0x3F0  }
.Ltmp4:
0x53: {  	s31 =	sadd.s32 $0x10, s31;
	(pc) =	sbr.rel @p0 .LBB2_10-.Ltmp4, $2  }
0x54: {  	_ =	sdelay $0x2  }
0x55: {  	s0 =	sadd.s32 $0x80, s0;
	s2 =	sadd.s32 s2, s10  }
0x56: {  	[hbm4b:s2+s4] =	stream.linear.scatter [tilespmem:s30], [sflag:$0x9], $0x60, $0x38;
	[tilespmem:$0x14220] =	vst v63  }
0x57: {  	_ =	swait.ge [sflag:s24], $0x2000  }
0x58: {  	s30 =	simm.s32 $0x8220;
	s31 =	simm.s32 $0x10;
	[sflag:s24] =	ssyncset.done $0x0  }
0x59: {  	s2 =	sadd.s32 $0x0, s11;
	s0 =	simm.s32 $0x82A0;
	[sflag:s24] =	ssyncadd.s32 $0xFFFFE000  }
.LBB2_12:
0x5a: {  	[hbm4b:s2+s4] =	stream.linear.scatter [tilespmem:s30], [sflag:$0x9], $0x60, $0x38;
	[tilespmem:$0x14220] =	vst v63  }
0x5b: {  	s2 =	smov.u32 s31;
	s30 =	smov.u32 s0;
	p0 =	sne.s32 s31, $0x3F0  }
.Ltmp5:
0x5c: {  	s31 =	sadd.s32 $0x10, s31;
	(pc) =	sbr.rel @p0 .LBB2_12-.Ltmp5, $2  }
0x5d: {  	_ =	sdelay $0x2  }
0x5e: {  	s0 =	sadd.s32 $0x80, s0;
	s2 =	sadd.s32 s2, s11  }
0x5f: {  	[hbm4b:s2+s4] =	stream.linear.scatter [tilespmem:s30], [sflag:$0x9], $0x60, $0x38;
	[tilespmem:$0x14220] =	vst v63  }
0x60: {  	_ =	swait.ge [sflag:s25], $0x2000  }
0x61: {  	s30 =	simm.s32 $0xA220;
	s31 =	simm.s32 $0x10;
	[sflag:s25] =	ssyncset.done $0x0  }
0x62: {  	s2 =	sadd.s32 $0x0, s12;
	s0 =	simm.s32 $0xA2A0;
	[sflag:s25] =	ssyncadd.s32 $0xFFFFE000  }
.LBB2_14:
0x63: {  	[hbm4b:s2+s4] =	stream.linear.scatter [tilespmem:s30], [sflag:$0x9], $0x60, $0x38;
	[tilespmem:$0x14220] =	vst v63  }
0x64: {  	s2 =	smov.u32 s31;
	s30 =	smov.u32 s0;
	p0 =	sne.s32 s31, $0x3F0  }
.Ltmp6:
0x65: {  	s31 =	sadd.s32 $0x10, s31;
	(pc) =	sbr.rel @p0 .LBB2_14-.Ltmp6, $2  }
0x66: {  	_ =	sdelay $0x2  }
0x67: {  	s0 =	sadd.s32 $0x80, s0;
	s2 =	sadd.s32 s2, s12  }
0x68: {  	[hbm4b:s2+s4] =	stream.linear.scatter [tilespmem:s30], [sflag:$0x9], $0x60, $0x38;
	[tilespmem:$0x14220] =	vst v63  }
0x69: {  	_ =	swait.ge [sflag:s26], $0x2000  }
0x6a: {  	s30 =	simm.s32 $0xC220;
	s31 =	simm.s32 $0x10;
	[sflag:s26] =	ssyncset.done $0x0  }
0x6b: {  	s2 =	sadd.s32 $0x0, s13;
	s0 =	simm.s32 $0xC2A0;
	[sflag:s26] =	ssyncadd.s32 $0xFFFFE000  }
.LBB2_16:
0x6c: {  	[hbm4b:s2+s4] =	stream.linear.scatter [tilespmem:s30], [sflag:$0x9], $0x60, $0x38;
	[tilespmem:$0x14220] =	vst v63  }
0x6d: {  	s2 =	smov.u32 s31;
	s30 =	smov.u32 s0;
	p0 =	sne.s32 s31, $0x3F0  }
.Ltmp7:
0x6e: {  	s31 =	sadd.s32 $0x10, s31;
	(pc) =	sbr.rel @p0 .LBB2_16-.Ltmp7, $2  }
0x6f: {  	_ =	sdelay $0x2  }
0x70: {  	s0 =	sadd.s32 $0x80, s0;
	s2 =	sadd.s32 s2, s13  }
0x71: {  	[hbm4b:s2+s4] =	stream.linear.scatter [tilespmem:s30], [sflag:$0x9], $0x60, $0x38;
	[tilespmem:$0x14220] =	vst v63  }
0x72: {  	_ =	swait.ge [sflag:s28], $0x2000  }
0x73: {  	s30 =	simm.s32 $0xE220;
	s31 =	simm.s32 $0x10;
	[sflag:s28] =	ssyncset.done $0x0  }
0x74: {  	s2 =	sadd.s32 $0x0, s14;
	s0 =	simm.s32 $0xE2A0;
	[sflag:s28] =	ssyncadd.s32 $0xFFFFE000  }
.LBB2_18:
0x75: {  	[hbm4b:s2+s4] =	stream.linear.scatter [tilespmem:s30], [sflag:$0x9], $0x60, $0x38;
	[tilespmem:$0x14220] =	vst v63  }
0x76: {  	s2 =	smov.u32 s31;
	s30 =	smov.u32 s0;
	p0 =	sne.s32 s31, $0x3F0  }
.Ltmp8:
0x77: {  	s31 =	sadd.s32 $0x10, s31;
	(pc) =	sbr.rel @p0 .LBB2_18-.Ltmp8, $2  }
0x78: {  	_ =	sdelay $0x2  }
0x79: {  	s0 =	sadd.s32 $0x80, s0;
	s2 =	sadd.s32 s2, s14  }
0x7a: {  	[hbm4b:s2+s4] =	stream.linear.scatter [tilespmem:s30], [sflag:$0x9], $0x60, $0x38;
	[tilespmem:$0x14220] =	vst v63  }
0x7b: {  	_ =	swait.ge [sflag:s17], $0x4000  }
0x7c: {  	[sflag:s17] =	ssyncset.done $0x0  }
0x7d: {  	[sflag:s17] =	ssyncadd.s32 $0xFFFFC000  }
0x7e: {  	_ =	swait.ge [sflag:s17], $0x1800  }
0x7f: {  	[sflag:s17] =	ssyncset.done $0x0  }
0x80: {  	[sflag:s17] =	ssyncadd.s32 $0xFFFFE800  }
0x81: {  	_ =	swait.ge [sflag:s17], $0x1800  }
0x82: {  	[sflag:s17] =	ssyncset.done $0x0  }
0x83: {  	[sflag:s17] =	ssyncadd.s32 $0xFFFFE800  }
0x84: {  	_ =	swait.ge [sflag:s17], $0x1800  }
0x85: {  	[sflag:s17] =	ssyncset.done $0x0  }
0x86: {  	[sflag:s17] =	ssyncadd.s32 $0xFFFFE800  }
0x87: {  	_ =	swait.ge [sflag:s17], $0x1800  }
0x88: {  	[sflag:s17] =	ssyncset.done $0x0  }
0x89: {  	[sflag:s17] =	ssyncadd.s32 $0xFFFFE800  }
0x8a: {  	_ =	swait.ge [sflag:s17], $0x1800  }
0x8b: {  	[sflag:s17] =	ssyncset.done $0x0  }
0x8c: {  	[sflag:s17] =	ssyncadd.s32 $0xFFFFE800  }
0x8d: {  	_ =	swait.ge [sflag:s17], $0x1800  }
0x8e: {  	[sflag:s17] =	ssyncset.done $0x0  }
0x8f: {  	s29 =	sadd.s32 $0x1, s29;
	[sflag:s17] =	ssyncadd.s32 $0xFFFFE800  }
0x90: {  	p0 =	sne.s32 s29, s15;
	_ =	swait.ge [sflag:s17], $0x1800  }
.Ltmp9:
0x91: {  	[sflag:s17] =	ssyncset.done $0x0;
	(pc) =	sbr.rel @p0 .LBB2_1-.Ltmp9, $4  }
0x92: {  	[sflag:s17] =	ssyncadd.s32 $0xFFFFE800  }
0x93: {  	_ =	swait.ge [sflag:s17], $0x1800  }
0x94: {  	[sflag:s17] =	ssyncset.done $0x0  }
0x95: {  	[sflag:s17] =	ssyncadd.s32 $0xFFFFE800  }
0x96: {  	_ =	sfence.sel $0x180000  }
0x97: {  	[bflag:$0x0] =	sbarrier.arrive $0xFFFF  }
0x98: {  	_ =	strace $0x90000047  }
0x99: {  	s0 =	stileid.u32;
	[bflag:$0x2] =	sbarrier.arrive $0xFFFF  }
0x9a: {  	p0 =	sne.s32 s0, $0x0;
	s0 =	rddreg [dreg:$0x4]  }
0x9b: {  	s0 =	sadd.s32 @!p0 $0x100000, s0  }
0x9c: {  	[sflag:s0] =	ssyncadd.tile.s32 @!p0 $0x1;
	_ =	shalt  }
.Lfunc_end2:
_tile_overlayer_lowered:
.L_overlay_start_2:
0x9d: {  	(tag) =	ssettag $0x2  }
0x9e: {  	s0 =	rddreg [dreg:$0x0];
	s2 =	stileid.u32  }
0x9f: {  	s1 =	rddreg [dreg:$0x1];
	p0 =	sne.s32 s2, $0x0  }
0xa0: {  	s3 =	rddreg [dreg:$0x2];
	[bflag:$0x3] =	sbarrier.arrive $0xFFFF;
	s2 =	simm.s32 @!p0 $0x1C0A  }
0xa1: {  	[timem:s3], [sflag:s2] =	dma.local @!p0 [hbm:s0], s1  }
0xa2: {  	s0 =	simm.s32 @!p0 $0xA  }
0xa3: {  	_ =	swait.ge @!p0 [sflag:s0], s1  }
0xa4: {  	s1 =	ssub.s32 @!p0 $0x0, s1;
	[sflag:s0] =	ssyncset.done @!p0 $0x0  }
0xa5: {  	[sflag:s0] =	ssyncadd.s32 @!p0 s1  }
0xa6: {  	[bflag:$0x3] =	sbarrier.arrive $0xFFFF  }
0xa7: {  	_ =	shalt  }

</sc_bundles>
